<compile_context>
chip_gen: v7x
topology: tpu7x:2x2x1
jax: 0.10.2.dev20260603
libtpu: 0.0.44.dev20260713+nightly
codegen_flags: <defaults>
</compile_context>

<pallas_src>
import functools

import jax
import jax.numpy as jnp
from jax import lax
from jax.experimental import pallas as pl
from jax.experimental.pallas import tpu as pltpu
from jax.experimental.pallas import tpu_sc as plsc

C = 128
K = 27
N_PAD = 100352
TILES = N_PAD // C
ZSPREAD = 16384
T_ROWS = N_PAD + ZSPREAD
T_TILES = T_ROWS // C
R = 2048


def _sc_gather(table, idx):
    info = plsc.get_sparse_core_info()
    nw = info.num_cores * info.num_subcores
    s_total = idx.shape[0]
    per_w = s_total // nw
    cols = table.shape[1]
    ch = 336
    bodies = per_w // (4 * ch)
    assert per_w * nw == s_total and 4 * ch * bodies == per_w

    mesh = plsc.VectorSubcoreMesh(core_axis_name="c", subcore_axis_name="s")

    @functools.partial(
        pl.kernel,
        mesh=mesh,
        out_type=jax.ShapeDtypeStruct((s_total, cols), table.dtype),
        scratch_types=[
            pltpu.VMEM((4 * ch,), jnp.int32),
            pltpu.VMEM((2, ch, cols), table.dtype),
            pltpu.SemaphoreType.DMA,
            pltpu.SemaphoreType.DMA,
            pltpu.SemaphoreType.DMA,
            pltpu.SemaphoreType.DMA,
        ],
    )
    def gather_kernel(table_hbm, idx_hbm, out_hbm, idx_v, rows_v,
                      g0, g1, w0, w1):
        cid = lax.axis_index("c")
        sid = lax.axis_index("s")
        wid = sid * info.num_cores + cid
        base = wid * per_w
        sem_g = (g0, g1)
        sem_w = (w0, w1)

        def chunk_off(body_ix, q):
            return base + body_ix * (4 * ch) + q * ch

        def body(body_ix, first):
            pltpu.sync_copy(idx_hbm.at[pl.ds(base + body_ix * 4 * ch, 4 * ch)],
                            idx_v)
            for q in range(4):
                s = q % 2
                off = chunk_off(body_ix, q)
                if not (first and q < 2):
                    pltpu.make_async_copy(rows_v.at[s],
                                          out_hbm.at[pl.ds(base, ch)],
                                          sem_w[s]).wait()
                pltpu.async_copy(table_hbm.at[idx_v.at[pl.ds(q * ch, ch)]],
                                 rows_v.at[s], sem_g[s])
                if q >= 1:
                    sp = (q - 1) % 2
                    poff = chunk_off(body_ix, q - 1)
                    pltpu.make_async_copy(table_hbm.at[idx_v.at[pl.ds(0, ch)]],
                                          rows_v.at[sp], sem_g[sp]).wait()
                    pltpu.async_copy(rows_v.at[sp],
                                     out_hbm.at[pl.ds(poff, ch)], sem_w[sp])
            pltpu.make_async_copy(table_hbm.at[idx_v.at[pl.ds(0, ch)]],
                                  rows_v.at[1], sem_g[1]).wait()
            pltpu.async_copy(rows_v.at[1],
                             out_hbm.at[pl.ds(chunk_off(body_ix, 3), ch)],
                             sem_w[1])

        body(0, True)
        lax.fori_loop(1, bodies, lambda j, c: (body(j, False), c)[1], 0)
        for s in range(2):
            pltpu.make_async_copy(rows_v.at[s], out_hbm.at[pl.ds(base, ch)],
                                  sem_w[s]).wait()

    return gather_kernel(table, idx)


def _pre_stage(feats, gamma1, beta1, n):
    in_blocks = (n + R - 1) // R

    def body(f_ref, g_ref, b_ref, o_ref):
        t = pl.program_id(0)
        x = f_ref[...]
        mu = jnp.mean(x, axis=-1, keepdims=True)
        var = jnp.mean((x - mu) ** 2, axis=-1, keepdims=True)
        y = (x - mu) * lax.rsqrt(var + 1e-5)
        y = y * g_ref[0] + b_ref[0]
        y = y * jax.nn.sigmoid(y)
        rows = t * R + lax.broadcasted_iota(jnp.int32, (R, C), 0)
        o_ref[...] = jnp.where(rows < n, y, 0.0)

    g2 = jnp.zeros((8, C), jnp.float32).at[0].set(gamma1)
    b2 = jnp.zeros((8, C), jnp.float32).at[0].set(beta1)
    return pl.pallas_call(
        body,
        grid=(T_ROWS // R,),
        in_specs=[
            pl.BlockSpec((R, C), lambda t: (jnp.minimum(t, in_blocks - 1), 0)),
            pl.BlockSpec((8, C), lambda t: (0, 0)),
            pl.BlockSpec((8, C), lambda t: (0, 0)),
        ],
        out_specs=pl.BlockSpec((R, C), lambda t: (t, 0)),
        out_shape=jax.ShapeDtypeStruct((T_ROWS, C), jnp.float32),
    )(feats, g2, b2)


def _mm1_stage(G, W1, b1, onehotB, shp, scp, n):

    def body(g_ref, w_ref, b_ref, oh_ref, sh_ref, sc_ref, f2_ref, acc_ref):
        t = pl.program_id(0)
        k = pl.program_id(1)

        @pl.when(k == 0)
        def _():
            acc_ref[...] = jnp.zeros_like(acc_ref)

        acc_ref[...] += jnp.dot(g_ref[0], w_ref[0], preferred_element_type=jnp.float32)

        @pl.when(k == K - 1)
        def _():
            y = acc_ref[...] + b_ref[0]
            mu = jnp.mean(y, axis=-1, keepdims=True)
            var = jnp.mean((y - mu) ** 2, axis=-1, keepdims=True)
            y = (y - mu) * lax.rsqrt(var + 1e-5)
            onehot = oh_ref[...]
            sh = jnp.dot(onehot, sh_ref[...], preferred_element_type=jnp.float32)
            sc = jnp.dot(onehot, sc_ref[...], preferred_element_type=jnp.float32)
            y = y * (1.0 + sc) + sh
            y = y * jax.nn.sigmoid(y)
            rows = t * R + lax.broadcasted_iota(jnp.int32, (R, C), 0)
            f2_ref[...] = jnp.where(rows < n, y, 0.0)

    b2 = jnp.zeros((8, C), jnp.float32).at[0].set(b1)
    nblk = N_PAD // R
    return pl.pallas_call(
        body,
        grid=(T_ROWS // R, K),
        in_specs=[
            pl.BlockSpec((1, R, C), lambda t, k: (k, jnp.minimum(t, nblk - 1), 0)),
            pl.BlockSpec((1, C, C), lambda t, k: (k, 0, 0)),
            pl.BlockSpec((8, C), lambda t, k: (0, 0)),
            pl.BlockSpec((R, 8), lambda t, k: (t, 0)),
            pl.BlockSpec((8, C), lambda t, k: (0, 0)),
            pl.BlockSpec((8, C), lambda t, k: (0, 0)),
        ],
        out_specs=pl.BlockSpec((R, C), lambda t, k: (t, 0)),
        out_shape=jax.ShapeDtypeStruct((T_ROWS, C), jnp.float32),
        scratch_shapes=[pltpu.VMEM((R, C), jnp.float32)],
    )(G, W1, b2, onehotB, shp, scp)


def _mm2_stage(G, W2, b2):

    def body(g_ref, w_ref, b_ref, o_ref):
        k = pl.program_id(1)

        @pl.when(k == 0)
        def _():
            o_ref[...] = jnp.zeros_like(o_ref)

        o_ref[...] += jnp.dot(g_ref[0], w_ref[0], preferred_element_type=jnp.float32)

        @pl.when(k == K - 1)
        def _():
            o_ref[...] += b_ref[0]

    b2p = jnp.zeros((8, C), jnp.float32).at[0].set(b2)
    return pl.pallas_call(
        body,
        grid=(N_PAD // R, K),
        in_specs=[
            pl.BlockSpec((1, R, C), lambda t, k: (k, t, 0)),
            pl.BlockSpec((1, C, C), lambda t, k: (k, 0, 0)),
            pl.BlockSpec((8, C), lambda t, k: (0, 0)),
        ],
        out_specs=pl.BlockSpec((R, C), lambda t, k: (t, 0)),
        out_shape=jax.ShapeDtypeStruct((N_PAD, C), jnp.float32),
    )(G, W2, b2p)


TOT = K * N_PAD


def _build_amap(in_idx, out_idx, counts):
    m = in_idx.shape[0]
    ends = jnp.cumsum(jnp.asarray(counts).astype(jnp.int32))
    k_e = jnp.searchsorted(ends, jnp.arange(m, dtype=jnp.int32),
                           side="right").astype(jnp.int32)
    a = N_PAD + jnp.arange(TOT, dtype=jnp.int32) % ZSPREAD
    key = k_e * N_PAD + out_idx.astype(jnp.int32)
    return a.at[key].set(in_idx.astype(jnp.int32),
                         indices_are_sorted=True, unique_indices=True)


def kernel(feats, shift_3d, scale_3d, gamma1, beta1, W1, b1, W2, b2,
           batch_idx, in1, out1, counts1, in2, out2, counts2):
    n = feats.shape[0]
    a1 = _build_amap(in1, out1, counts1)
    a2 = _build_amap(in2, out2, counts2)

    bidx_pad = jnp.zeros((T_ROWS,), jnp.int32).at[:n].set(batch_idx.astype(jnp.int32))
    onehotB = (bidx_pad[:, None] == jnp.arange(8, dtype=jnp.int32)[None, :]
               ).astype(jnp.float32)
    shp = jnp.zeros((8, C), jnp.float32).at[:4].set(shift_3d)
    scp = jnp.zeros((8, C), jnp.float32).at[:4].set(scale_3d)

    f1 = _pre_stage(feats, gamma1, beta1, n)
    g1 = _sc_gather(f1, a1).reshape(K, N_PAD, C)
    f2 = _mm1_stage(g1, W1, b1, onehotB, shp, scp, n)
    g2 = _sc_gather(f2, a2).reshape(K, N_PAD, C)
    out = _mm2_stage(g2, W2, b2)
    return out[:n]

# --- scband reference (transcript-rebuilt; emitter-appended) ---
"""Pipeline reference for scband-point-block-24309514895482 (READ-ONLY COPY).

The authoritative reference and input builder live on the scoring server;
editing this copy changes nothing except your own understanding.
"""

import jax, jax.numpy as jnp
import numpy as np

N = 100000
C = 128
B = 4
G = 64


def _build_kmap(coords, batch, dilation, grid):
    # Submanifold sparse-conv kernel map: for each of 27 offsets, find pairs
    # (input point at coord+offset*dilation, output point at coord) within the same batch.
    key_all = ((batch.astype(np.int64) * grid + coords[:, 0]) * grid + coords[:, 1]) * grid + coords[:, 2]
    uk, ui = np.unique(key_all, return_index=True)
    n = coords.shape[0]
    idx_all = np.arange(n, dtype=np.int64)
    ins, outs, counts = [], [], []
    for dx in (-1, 0, 1):
        for dy in (-1, 0, 1):
            for dz in (-1, 0, 1):
                nc = coords + np.array([dx, dy, dz], dtype=np.int64) * dilation
                valid = np.all((nc >= 0) & (nc < grid), axis=1)
                nkey = ((batch.astype(np.int64) * grid + nc[:, 0]) * grid + nc[:, 1]) * grid + nc[:, 2]
                pos = np.clip(np.searchsorted(uk, nkey), 0, len(uk) - 1)
                found = valid & (uk[pos] == nkey)
                ins.append(ui[pos[found]])
                outs.append(idx_all[found])
                counts.append(int(found.sum()))
    return (np.concatenate(ins).astype(np.int64), np.concatenate(outs).astype(np.int64), np.array(counts, dtype=np.int64))


def setup_inputs(seed: int = 0):
    key = jax.random.key(seed)
    ks = jax.random.split(key, 8)
    feats = jax.random.normal(ks[0], (N, C), dtype=jnp.float32)
    rng = np.random.default_rng(0)
    coords = rng.integers(0, G, size=(N, 3)).astype(np.int64)
    batch_idx = np.sort(rng.integers(0, B, size=(N,))).astype(np.int64)
    shift_3d = jax.random.normal(ks[1], (B, C), dtype=jnp.float32)
    scale_3d = jax.random.normal(ks[2], (B, C), dtype=jnp.float32)
    W1 = jax.random.normal(ks[3], (27, C, C), dtype=jnp.float32) * 0.02
    b1 = jnp.zeros((C,), dtype=jnp.float32)
    W2 = jax.random.normal(ks[4], (27, C, C), dtype=jnp.float32) * 0.02
    b2 = jnp.zeros((C,), dtype=jnp.float32)
    gamma1 = jnp.ones((C,), dtype=jnp.float32)
    beta1 = jnp.zeros((C,), dtype=jnp.float32)
    in1, out1, counts1 = _build_kmap(coords, batch_idx, 1, G)
    in2, out2, counts2 = _build_kmap(coords, batch_idx, 2, G)
    return {
        'feats': feats, 'shift_3d': shift_3d, 'scale_3d': scale_3d,
        'gamma1': gamma1, 'beta1': beta1,
        'W1': W1, 'b1': b1, 'W2': W2, 'b2': b2,
        'batch_idx': jnp.asarray(batch_idx),
        'in1': jnp.asarray(in1), 'out1': jnp.asarray(out1), 'counts1': counts1,
        'in2': jnp.asarray(in2), 'out2': jnp.asarray(out2), 'counts2': counts2,
    }


def _layernorm(x, gamma=None, beta=None, eps=1e-5):
    mu = x.mean(axis=-1, keepdims=True)
    var = x.var(axis=-1, keepdims=True)
    y = (x - mu) / jnp.sqrt(var + eps)
    if gamma is not None:
        y = y * gamma + beta
    return y


def _silu(x):
    return x * jax.nn.sigmoid(x)


def _sparse_conv(F, W, b, in_idx, out_idx, counts):
    out = jnp.zeros((F.shape[0], W.shape[2]), dtype=F.dtype)
    M = in_idx.shape[0]
    counts = jnp.asarray(counts)
    ends = jnp.cumsum(counts)
    starts = ends - counts
    entry_pos = jnp.arange(M, dtype=ends.dtype)
    Fi = F[in_idx]
    for k in range(27):
        mask = (entry_pos >= starts[k]) & (entry_pos < ends[k])
        contrib = jnp.where(mask[:, None], Fi @ W[k], jnp.zeros((), dtype=F.dtype))
        out = out.at[out_idx].add(contrib)
    return out + b


def reference(feats, shift_3d, scale_3d, gamma1, beta1, W1, b1, W2, b2, batch_idx, in1, out1, counts1, in2, out2, counts2):
    shift = shift_3d[batch_idx]
    scale = scale_3d[batch_idx]
    F = feats.astype(jnp.float32)
    F = _layernorm(F, gamma1, beta1)
    F = _silu(F)
    F = _sparse_conv(F, W1, b1, in1, out1, counts1)
    F = _layernorm(F)
    F = F * (1.0 + scale) + shift
    F = _silu(F)
    F = _sparse_conv(F, W2, b2, in2, out2, counts2)
    return F

if __name__ == "__main__":
    import jax
    _d = setup_inputs()
    print(jax.jit(kernel)(*tuple(_d.values())))

</pallas_src>

<mosaic_0001>
#map = affine_map<(d0, d1) -> (0, 0)>
#map1 = affine_map<(d0, d1) -> (0)>
module attributes {stable_mosaic.version = 14 : i64} {
  func.func @gather_kernel(%arg0: i32, %arg1: i32, %arg2: memref<116736x128xf32, #tpu.memory_space<hbm>>, %arg3: memref<2709504xi32, #tpu.memory_space<hbm>>, %arg4: memref<2709504x128xf32, #tpu.memory_space<hbm>>, %arg5: memref<1344xi32, #tpu.memory_space<vmem>>, %arg6: memref<2x336x128xf32, #tpu.memory_space<vmem>>, %arg7: memref<!tpu.dma_semaphore, #tpu.memory_space<semaphore_mem>>, %arg8: memref<!tpu.dma_semaphore, #tpu.memory_space<semaphore_mem>>, %arg9: memref<!tpu.dma_semaphore, #tpu.memory_space<semaphore_mem>>, %arg10: memref<!tpu.dma_semaphore, #tpu.memory_space<semaphore_mem>>) attributes {dimension_semantics = [#tpu.dimension_semantics<core_parallel>, #tpu.dimension_semantics<subcore_parallel>], iteration_bounds = array<i64: 2, 16>, scalar_prefetch = 0 : i64, scratch_operands = 6 : i64, tpu.core_type = #tpu.core_type<sc_vector_subcore>, window_params = [{transform_indices = #map}, {transform_indices = #map1}, {transform_indices = #map}]} {
    %mul3A = arith.constant 2 : i32
    %mul3A_0 = arith.muli %arg1, %mul3A : i32
    %add3A = arith.addi %mul3A_0, %arg0 : i32
    %mul3A_1 = arith.constant 84672 : i32
    %mul3A_2 = arith.muli %add3A, %mul3A_1 : i32
    %add3A_3 = arith.constant 0 : i32
    %add3A_4 = arith.addi %mul3A_2, %add3A_3 : i32
    "tpu.region"() ({
      %run_scoped3A = tpu.sem_alloc : memref<!tpu.dma_semaphore, #tpu.memory_space<semaphore_mem>>
      %dma_start3A_224 = tpu.memref_slice %arg3[%add3A_4] : memref<2709504xi32, #tpu.memory_space<hbm>> -> memref<1344xi32, #tpu.memory_space<hbm>>
      %dma_start3A_225 = tpu.memref_slice %arg3[%add3A_4] : memref<2709504xi32, #tpu.memory_space<hbm>> -> memref<1344xi32, #tpu.memory_space<hbm>>
      tpu.enqueue_dma source(%dma_start3A_225 : memref<1344xi32, #tpu.memory_space<hbm>>) target(%arg5 : memref<1344xi32, #tpu.memory_space<vmem>>) target_semaphore(%run_scoped3A : memref<!tpu.dma_semaphore, #tpu.memory_space<semaphore_mem>>)
      %dma_wait3A_226 = tpu.memref_slice %arg3[%add3A_4] : memref<2709504xi32, #tpu.memory_space<hbm>> -> memref<1344xi32, #tpu.memory_space<hbm>>
      %dma_wait3A_227 = tpu.memref_slice %arg3[%add3A_4] : memref<2709504xi32, #tpu.memory_space<hbm>> -> memref<1344xi32, #tpu.memory_space<hbm>>
      tpu.wait_dma2 semaphore(%run_scoped3A : memref<!tpu.dma_semaphore, #tpu.memory_space<semaphore_mem>>) src(%dma_wait3A_227 : memref<1344xi32, #tpu.memory_space<hbm>>) dst(%arg5 : memref<1344xi32, #tpu.memory_space<vmem>>)
      tpu.yield
    }) : () -> ()
    %add3A_5 = arith.constant 0 : i32
    %add3A_6 = arith.addi %mul3A_2, %add3A_5 : i32
    %add3A_7 = arith.constant 0 : i32
    %add3A_8 = arith.addi %add3A_6, %add3A_7 : i32
    %dma_start3A = arith.constant 0 : i32
    %dma_start3A_9 = arith.constant 0 : i32
    %dma_start3A_10 = arith.constant 0 : i32
    %dma_start3A_11 = tpu.memref_slice %arg6[%dma_start3A, %dma_start3A_9, %dma_start3A_10] : memref<2x336x128xf32, #tpu.memory_space<vmem>> -> memref<1x336x128xf32, #tpu.memory_space<vmem>>
    %dma_start3A_12 = tpu.memref_squeeze %dma_start3A_11 : memref<1x336x128xf32, #tpu.memory_space<vmem>> -> memref<336x128xf32, #tpu.memory_space<vmem>>
    %dma_start3A_13 = arith.constant 0 : i32
    %dma_start3A_14 = tpu.memref_slice %arg5[%dma_start3A_13] : memref<1344xi32, #tpu.memory_space<vmem>> -> memref<336xi32, #tpu.memory_space<vmem>>
    %dma_start3A_15 = arith.constant 0 : i32
    %dma_start3A_16 = arith.constant 0 : i32
    %dma_start3A_17 = tpu.memref_slice %arg2[%dma_start3A_15, %dma_start3A_16] : memref<116736x128xf32, #tpu.memory_space<hbm>> -> memref<116736x128xf32, #tpu.memory_space<hbm>>
    tpu.enqueue_indirect_dma source(%dma_start3A_17 : memref<116736x128xf32, #tpu.memory_space<hbm>>) target(%dma_start3A_12 : memref<336x128xf32, #tpu.memory_space<vmem>>) offsets(%dma_start3A_14 : memref<336xi32, #tpu.memory_space<vmem>>) semaphore(%arg7 : memref<!tpu.dma_semaphore, #tpu.memory_space<semaphore_mem>>)
    %add3A_18 = arith.constant 0 : i32
    %add3A_19 = arith.addi %mul3A_2, %add3A_18 : i32
    %add3A_20 = arith.constant 336 : i32
    %add3A_21 = arith.addi %add3A_19, %add3A_20 : i32
    %dma_start3A_22 = arith.constant 1 : i32
    %dma_start3A_23 = arith.constant 0 : i32
    %dma_start3A_24 = arith.constant 0 : i32
    %dma_start3A_25 = tpu.memref_slice %arg6[%dma_start3A_22, %dma_start3A_23, %dma_start3A_24] : memref<2x336x128xf32, #tpu.memory_space<vmem>> -> memref<1x336x128xf32, #tpu.memory_space<vmem>>
    %dma_start3A_26 = tpu.memref_squeeze %dma_start3A_25 : memref<1x336x128xf32, #tpu.memory_space<vmem>> -> memref<336x128xf32, #tpu.memory_space<vmem>>
    %dma_start3A_27 = arith.constant 336 : i32
    %dma_start3A_28 = tpu.memref_slice %arg5[%dma_start3A_27] : memref<1344xi32, #tpu.memory_space<vmem>> -> memref<336xi32, #tpu.memory_space<vmem>>
    %dma_start3A_29 = arith.constant 0 : i32
    %dma_start3A_30 = arith.constant 0 : i32
    %dma_start3A_31 = tpu.memref_slice %arg2[%dma_start3A_29, %dma_start3A_30] : memref<116736x128xf32, #tpu.memory_space<hbm>> -> memref<116736x128xf32, #tpu.memory_space<hbm>>
    tpu.enqueue_indirect_dma source(%dma_start3A_31 : memref<116736x128xf32, #tpu.memory_space<hbm>>) target(%dma_start3A_26 : memref<336x128xf32, #tpu.memory_space<vmem>>) offsets(%dma_start3A_28 : memref<336xi32, #tpu.memory_space<vmem>>) semaphore(%arg8 : memref<!tpu.dma_semaphore, #tpu.memory_space<semaphore_mem>>)
    %add3A_32 = arith.constant 0 : i32
    %add3A_33 = arith.addi %mul3A_2, %add3A_32 : i32
    %add3A_34 = arith.constant 0 : i32
    %add3A_35 = arith.addi %add3A_33, %add3A_34 : i32
    %dma_wait3A = arith.constant 0 : i32
    %dma_wait3A_36 = arith.constant 0 : i32
    %dma_wait3A_37 = arith.constant 0 : i32
    %dma_wait3A_38 = tpu.memref_slice %arg6[%dma_wait3A, %dma_wait3A_36, %dma_wait3A_37] : memref<2x336x128xf32, #tpu.memory_space<vmem>> -> memref<1x336x128xf32, #tpu.memory_space<vmem>>
    %dma_wait3A_39 = tpu.memref_squeeze %dma_wait3A_38 : memref<1x336x128xf32, #tpu.memory_space<vmem>> -> memref<336x128xf32, #tpu.memory_space<vmem>>
    %dma_wait3A_40 = arith.constant 0 : i32
    %dma_wait3A_41 = tpu.memref_slice %arg5[%dma_wait3A_40] : memref<1344xi32, #tpu.memory_space<vmem>> -> memref<336xi32, #tpu.memory_space<vmem>>
    %dma_wait3A_42 = arith.constant 0 : i32
    %dma_wait3A_43 = arith.constant 0 : i32
    %dma_wait3A_44 = tpu.memref_slice %arg2[%dma_wait3A_42, %dma_wait3A_43] : memref<116736x128xf32, #tpu.memory_space<hbm>> -> memref<116736x128xf32, #tpu.memory_space<hbm>>
    tpu.wait_indirect_dma semaphore(%arg7 : memref<!tpu.dma_semaphore, #tpu.memory_space<semaphore_mem>>) src(%dma_wait3A_44 : memref<116736x128xf32, #tpu.memory_space<hbm>>) dst(%dma_wait3A_39 : memref<336x128xf32, #tpu.memory_space<vmem>>)
    %dma_start3A_45 = arith.constant 0 : i32
    %dma_start3A_46 = arith.constant 0 : i32
    %dma_start3A_47 = arith.constant 0 : i32
    %dma_start3A_48 = tpu.memref_slice %arg6[%dma_start3A_45, %dma_start3A_46, %dma_start3A_47] : memref<2x336x128xf32, #tpu.memory_space<vmem>> -> memref<1x336x128xf32, #tpu.memory_space<vmem>>
    %dma_start3A_49 = tpu.memref_squeeze %dma_start3A_48 : memref<1x336x128xf32, #tpu.memory_space<vmem>> -> memref<336x128xf32, #tpu.memory_space<vmem>>
    %dma_start3A_50 = arith.constant 0 : i32
    %dma_start3A_51 = tpu.memref_slice %arg4[%add3A_35, %dma_start3A_50] : memref<2709504x128xf32, #tpu.memory_space<hbm>> -> memref<336x128xf32, #tpu.memory_space<hbm>>
    %dma_start3A_52 = arith.constant 0 : i32
    %dma_start3A_53 = tpu.memref_slice %arg4[%add3A_35, %dma_start3A_52] : memref<2709504x128xf32, #tpu.memory_space<hbm>> -> memref<336x128xf32, #tpu.memory_space<hbm>>
    %dma_start3A_54 = arith.constant 0 : i32
    %dma_start3A_55 = arith.constant 0 : i32
    %dma_start3A_56 = tpu.memref_slice %arg6[%dma_start3A_45, %dma_start3A_54, %dma_start3A_55] : memref<2x336x128xf32, #tpu.memory_space<vmem>> -> memref<1x336x128xf32, #tpu.memory_space<vmem>>
    %dma_start3A_57 = tpu.memref_squeeze %dma_start3A_56 : memref<1x336x128xf32, #tpu.memory_space<vmem>> -> memref<336x128xf32, #tpu.memory_space<vmem>>
    tpu.enqueue_dma source(%dma_start3A_57 : memref<336x128xf32, #tpu.memory_space<vmem>>) target(%dma_start3A_53 : memref<336x128xf32, #tpu.memory_space<hbm>>) target_semaphore(%arg9 : memref<!tpu.dma_semaphore, #tpu.memory_space<semaphore_mem>>)
    %add3A_58 = arith.constant 0 : i32
    %add3A_59 = arith.addi %mul3A_2, %add3A_58 : i32
    %add3A_60 = arith.constant 672 : i32
    %add3A_61 = arith.addi %add3A_59, %add3A_60 : i32
    %dma_wait3A_62 = arith.constant 0 : i32
    %dma_wait3A_63 = arith.constant 0 : i32
    %dma_wait3A_64 = arith.constant 0 : i32
    %dma_wait3A_65 = tpu.memref_slice %arg6[%dma_wait3A_62, %dma_wait3A_63, %dma_wait3A_64] : memref<2x336x128xf32, #tpu.memory_space<vmem>> -> memref<1x336x128xf32, #tpu.memory_space<vmem>>
    %dma_wait3A_66 = tpu.memref_squeeze %dma_wait3A_65 : memref<1x336x128xf32, #tpu.memory_space<vmem>> -> memref<336x128xf32, #tpu.memory_space<vmem>>
    %dma_wait3A_67 = arith.constant 0 : i32
    %dma_wait3A_68 = tpu.memref_slice %arg4[%mul3A_2, %dma_wait3A_67] : memref<2709504x128xf32, #tpu.memory_space<hbm>> -> memref<336x128xf32, #tpu.memory_space<hbm>>
    %dma_wait3A_69 = arith.constant 0 : i32
    %dma_wait3A_70 = tpu.memref_slice %arg4[%mul3A_2, %dma_wait3A_69] : memref<2709504x128xf32, #tpu.memory_space<hbm>> -> memref<336x128xf32, #tpu.memory_space<hbm>>
    %dma_wait3A_71 = arith.constant 0 : i32
    %dma_wait3A_72 = arith.constant 0 : i32
    %dma_wait3A_73 = tpu.memref_slice %arg6[%dma_wait3A_62, %dma_wait3A_71, %dma_wait3A_72] : memref<2x336x128xf32, #tpu.memory_space<vmem>> -> memref<1x336x128xf32, #tpu.memory_space<vmem>>
    %dma_wait3A_74 = tpu.memref_squeeze %dma_wait3A_73 : memref<1x336x128xf32, #tpu.memory_space<vmem>> -> memref<336x128xf32, #tpu.memory_space<vmem>>
    tpu.wait_dma2 semaphore(%arg9 : memref<!tpu.dma_semaphore, #tpu.memory_space<semaphore_mem>>) src(%dma_wait3A_74 : memref<336x128xf32, #tpu.memory_space<vmem>>) dst(%dma_wait3A_70 : memref<336x128xf32, #tpu.memory_space<hbm>>)
    %dma_start3A_75 = arith.constant 0 : i32
    %dma_start3A_76 = arith.constant 0 : i32
    %dma_start3A_77 = arith.constant 0 : i32
    %dma_start3A_78 = tpu.memref_slice %arg6[%dma_start3A_75, %dma_start3A_76, %dma_start3A_77] : memref<2x336x128xf32, #tpu.memory_space<vmem>> -> memref<1x336x128xf32, #tpu.memory_space<vmem>>
    %dma_start3A_79 = tpu.memref_squeeze %dma_start3A_78 : memref<1x336x128xf32, #tpu.memory_space<vmem>> -> memref<336x128xf32, #tpu.memory_space<vmem>>
    %dma_start3A_80 = arith.constant 672 : i32
    %dma_start3A_81 = tpu.memref_slice %arg5[%dma_start3A_80] : memref<1344xi32, #tpu.memory_space<vmem>> -> memref<336xi32, #tpu.memory_space<vmem>>
    %dma_start3A_82 = arith.constant 0 : i32
    %dma_start3A_83 = arith.constant 0 : i32
    %dma_start3A_84 = tpu.memref_slice %arg2[%dma_start3A_82, %dma_start3A_83] : memref<116736x128xf32, #tpu.memory_space<hbm>> -> memref<116736x128xf32, #tpu.memory_space<hbm>>
    tpu.enqueue_indirect_dma source(%dma_start3A_84 : memref<116736x128xf32, #tpu.memory_space<hbm>>) target(%dma_start3A_79 : memref<336x128xf32, #tpu.memory_space<vmem>>) offsets(%dma_start3A_81 : memref<336xi32, #tpu.memory_space<vmem>>) semaphore(%arg7 : memref<!tpu.dma_semaphore, #tpu.memory_space<semaphore_mem>>)
    %add3A_85 = arith.constant 0 : i32
    %add3A_86 = arith.addi %mul3A_2, %add3A_85 : i32
    %add3A_87 = arith.constant 336 : i32
    %add3A_88 = arith.addi %add3A_86, %add3A_87 : i32
    %dma_wait3A_89 = arith.constant 1 : i32
    %dma_wait3A_90 = arith.constant 0 : i32
    %dma_wait3A_91 = arith.constant 0 : i32
    %dma_wait3A_92 = tpu.memref_slice %arg6[%dma_wait3A_89, %dma_wait3A_90, %dma_wait3A_91] : memref<2x336x128xf32, #tpu.memory_space<vmem>> -> memref<1x336x128xf32, #tpu.memory_space<vmem>>
    %dma_wait3A_93 = tpu.memref_squeeze %dma_wait3A_92 : memref<1x336x128xf32, #tpu.memory_space<vmem>> -> memref<336x128xf32, #tpu.memory_space<vmem>>
    %dma_wait3A_94 = arith.constant 0 : i32
    %dma_wait3A_95 = tpu.memref_slice %arg5[%dma_wait3A_94] : memref<1344xi32, #tpu.memory_space<vmem>> -> memref<336xi32, #tpu.memory_space<vmem>>
    %dma_wait3A_96 = arith.constant 0 : i32
    %dma_wait3A_97 = arith.constant 0 : i32
    %dma_wait3A_98 = tpu.memref_slice %arg2[%dma_wait3A_96, %dma_wait3A_97] : memref<116736x128xf32, #tpu.memory_space<hbm>> -> memref<116736x128xf32, #tpu.memory_space<hbm>>
    tpu.wait_indirect_dma semaphore(%arg8 : memref<!tpu.dma_semaphore, #tpu.memory_space<semaphore_mem>>) src(%dma_wait3A_98 : memref<116736x128xf32, #tpu.memory_space<hbm>>) dst(%dma_wait3A_93 : memref<336x128xf32, #tpu.memory_space<vmem>>)
    %dma_start3A_99 = arith.constant 1 : i32
    %dma_start3A_100 = arith.constant 0 : i32
    %dma_start3A_101 = arith.constant 0 : i32
    %dma_start3A_102 = tpu.memref_slice %arg6[%dma_start3A_99, %dma_start3A_100, %dma_start3A_101] : memref<2x336x128xf32, #tpu.memory_space<vmem>> -> memref<1x336x128xf32, #tpu.memory_space<vmem>>
    %dma_start3A_103 = tpu.memref_squeeze %dma_start3A_102 : memref<1x336x128xf32, #tpu.memory_space<vmem>> -> memref<336x128xf32, #tpu.memory_space<vmem>>
    %dma_start3A_104 = arith.constant 0 : i32
    %dma_start3A_105 = tpu.memref_slice %arg4[%add3A_88, %dma_start3A_104] : memref<2709504x128xf32, #tpu.memory_space<hbm>> -> memref<336x128xf32, #tpu.memory_space<hbm>>
    %dma_start3A_106 = arith.constant 0 : i32
    %dma_start3A_107 = tpu.memref_slice %arg4[%add3A_88, %dma_start3A_106] : memref<2709504x128xf32, #tpu.memory_space<hbm>> -> memref<336x128xf32, #tpu.memory_space<hbm>>
    %dma_start3A_108 = arith.constant 0 : i32
    %dma_start3A_109 = arith.constant 0 : i32
    %dma_start3A_110 = tpu.memref_slice %arg6[%dma_start3A_99, %dma_start3A_108, %dma_start3A_109] : memref<2x336x128xf32, #tpu.memory_space<vmem>> -> memref<1x336x128xf32, #tpu.memory_space<vmem>>
    %dma_start3A_111 = tpu.memref_squeeze %dma_start3A_110 : memref<1x336x128xf32, #tpu.memory_space<vmem>> -> memref<336x128xf32, #tpu.memory_space<vmem>>
    tpu.enqueue_dma source(%dma_start3A_111 : memref<336x128xf32, #tpu.memory_space<vmem>>) target(%dma_start3A_107 : memref<336x128xf32, #tpu.memory_space<hbm>>) target_semaphore(%arg10 : memref<!tpu.dma_semaphore, #tpu.memory_space<semaphore_mem>>)
    %add3A_112 = arith.constant 0 : i32
    %add3A_113 = arith.addi %mul3A_2, %add3A_112 : i32
    %add3A_114 = arith.constant 1008 : i32
    %add3A_115 = arith.addi %add3A_113, %add3A_114 : i32
    %dma_wait3A_116 = arith.constant 1 : i32
    %dma_wait3A_117 = arith.constant 0 : i32
    %dma_wait3A_118 = arith.constant 0 : i32
    %dma_wait3A_119 = tpu.memref_slice %arg6[%dma_wait3A_116, %dma_wait3A_117, %dma_wait3A_118] : memref<2x336x128xf32, #tpu.memory_space<vmem>> -> memref<1x336x128xf32, #tpu.memory_space<vmem>>
    %dma_wait3A_120 = tpu.memref_squeeze %dma_wait3A_119 : memref<1x336x128xf32, #tpu.memory_space<vmem>> -> memref<336x128xf32, #tpu.memory_space<vmem>>
    %dma_wait3A_121 = arith.constant 0 : i32
    %dma_wait3A_122 = tpu.memref_slice %arg4[%mul3A_2, %dma_wait3A_121] : memref<2709504x128xf32, #tpu.memory_space<hbm>> -> memref<336x128xf32, #tpu.memory_space<hbm>>
    %dma_wait3A_123 = arith.constant 0 : i32
    %dma_wait3A_124 = tpu.memref_slice %arg4[%mul3A_2, %dma_wait3A_123] : memref<2709504x128xf32, #tpu.memory_space<hbm>> -> memref<336x128xf32, #tpu.memory_space<hbm>>
    %dma_wait3A_125 = arith.constant 0 : i32
    %dma_wait3A_126 = arith.constant 0 : i32
    %dma_wait3A_127 = tpu.memref_slice %arg6[%dma_wait3A_116, %dma_wait3A_125, %dma_wait3A_126] : memref<2x336x128xf32, #tpu.memory_space<vmem>> -> memref<1x336x128xf32, #tpu.memory_space<vmem>>
    %dma_wait3A_128 = tpu.memref_squeeze %dma_wait3A_127 : memref<1x336x128xf32, #tpu.memory_space<vmem>> -> memref<336x128xf32, #tpu.memory_space<vmem>>
    tpu.wait_dma2 semaphore(%arg10 : memref<!tpu.dma_semaphore, #tpu.memory_space<semaphore_mem>>) src(%dma_wait3A_128 : memref<336x128xf32, #tpu.memory_space<vmem>>) dst(%dma_wait3A_124 : memref<336x128xf32, #tpu.memory_space<hbm>>)
    %dma_start3A_129 = arith.constant 1 : i32
    %dma_start3A_130 = arith.constant 0 : i32
    %dma_start3A_131 = arith.constant 0 : i32
    %dma_start3A_132 = tpu.memref_slice %arg6[%dma_start3A_129, %dma_start3A_130, %dma_start3A_131] : memref<2x336x128xf32, #tpu.memory_space<vmem>> -> memref<1x336x128xf32, #tpu.memory_space<vmem>>
    %dma_start3A_133 = tpu.memref_squeeze %dma_start3A_132 : memref<1x336x128xf32, #tpu.memory_space<vmem>> -> memref<336x128xf32, #tpu.memory_space<vmem>>
    %dma_start3A_134 = arith.constant 1008 : i32
    %dma_start3A_135 = tpu.memref_slice %arg5[%dma_start3A_134] : memref<1344xi32, #tpu.memory_space<vmem>> -> memref<336xi32, #tpu.memory_space<vmem>>
    %dma_start3A_136 = arith.constant 0 : i32
    %dma_start3A_137 = arith.constant 0 : i32
    %dma_start3A_138 = tpu.memref_slice %arg2[%dma_start3A_136, %dma_start3A_137] : memref<116736x128xf32, #tpu.memory_space<hbm>> -> memref<116736x128xf32, #tpu.memory_space<hbm>>
    tpu.enqueue_indirect_dma source(%dma_start3A_138 : memref<116736x128xf32, #tpu.memory_space<hbm>>) target(%dma_start3A_133 : memref<336x128xf32, #tpu.memory_space<vmem>>) offsets(%dma_start3A_135 : memref<336xi32, #tpu.memory_space<vmem>>) semaphore(%arg8 : memref<!tpu.dma_semaphore, #tpu.memory_space<semaphore_mem>>)
    %add3A_139 = arith.constant 0 : i32
    %add3A_140 = arith.addi %mul3A_2, %add3A_139 : i32
    %add3A_141 = arith.constant 672 : i32
    %add3A_142 = arith.addi %add3A_140, %add3A_141 : i32
    %dma_wait3A_143 = arith.constant 0 : i32
    %dma_wait3A_144 = arith.constant 0 : i32
    %dma_wait3A_145 = arith.constant 0 : i32
    %dma_wait3A_146 = tpu.memref_slice %arg6[%dma_wait3A_143, %dma_wait3A_144, %dma_wait3A_145] : memref<2x336x128xf32, #tpu.memory_space<vmem>> -> memref<1x336x128xf32, #tpu.memory_space<vmem>>
    %dma_wait3A_147 = tpu.memref_squeeze %dma_wait3A_146 : memref<1x336x128xf32, #tpu.memory_space<vmem>> -> memref<336x128xf32, #tpu.memory_space<vmem>>
    %dma_wait3A_148 = arith.constant 0 : i32
    %dma_wait3A_149 = tpu.memref_slice %arg5[%dma_wait3A_148] : memref<1344xi32, #tpu.memory_space<vmem>> -> memref<336xi32, #tpu.memory_space<vmem>>
    %dma_wait3A_150 = arith.constant 0 : i32
    %dma_wait3A_151 = arith.constant 0 : i32
    %dma_wait3A_152 = tpu.memref_slice %arg2[%dma_wait3A_150, %dma_wait3A_151] : memref<116736x128xf32, #tpu.memory_space<hbm>> -> memref<116736x128xf32, #tpu.memory_space<hbm>>
    tpu.wait_indirect_dma semaphore(%arg7 : memref<!tpu.dma_semaphore, #tpu.memory_space<semaphore_mem>>) src(%dma_wait3A_152 : memref<116736x128xf32, #tpu.memory_space<hbm>>) dst(%dma_wait3A_147 : memref<336x128xf32, #tpu.memory_space<vmem>>)
    %dma_start3A_153 = arith.constant 0 : i32
    %dma_start3A_154 = arith.constant 0 : i32
    %dma_start3A_155 = arith.constant 0 : i32
    %dma_start3A_156 = tpu.memref_slice %arg6[%dma_start3A_153, %dma_start3A_154, %dma_start3A_155] : memref<2x336x128xf32, #tpu.memory_space<vmem>> -> memref<1x336x128xf32, #tpu.memory_space<vmem>>
    %dma_start3A_157 = tpu.memref_squeeze %dma_start3A_156 : memref<1x336x128xf32, #tpu.memory_space<vmem>> -> memref<336x128xf32, #tpu.memory_space<vmem>>
    %dma_start3A_158 = arith.constant 0 : i32
    %dma_start3A_159 = tpu.memref_slice %arg4[%add3A_142, %dma_start3A_158] : memref<2709504x128xf32, #tpu.memory_space<hbm>> -> memref<336x128xf32, #tpu.memory_space<hbm>>
    %dma_start3A_160 = arith.constant 0 : i32
    %dma_start3A_161 = tpu.memref_slice %arg4[%add3A_142, %dma_start3A_160] : memref<2709504x128xf32, #tpu.memory_space<hbm>> -> memref<336x128xf32, #tpu.memory_space<hbm>>
    %dma_start3A_162 = arith.constant 0 : i32
    %dma_start3A_163 = arith.constant 0 : i32
    %dma_start3A_164 = tpu.memref_slice %arg6[%dma_start3A_153, %dma_start3A_162, %dma_start3A_163] : memref<2x336x128xf32, #tpu.memory_space<vmem>> -> memref<1x336x128xf32, #tpu.memory_space<vmem>>
    %dma_start3A_165 = tpu.memref_squeeze %dma_start3A_164 : memref<1x336x128xf32, #tpu.memory_space<vmem>> -> memref<336x128xf32, #tpu.memory_space<vmem>>
    tpu.enqueue_dma source(%dma_start3A_165 : memref<336x128xf32, #tpu.memory_space<vmem>>) target(%dma_start3A_161 : memref<336x128xf32, #tpu.memory_space<hbm>>) target_semaphore(%arg9 : memref<!tpu.dma_semaphore, #tpu.memory_space<semaphore_mem>>)
    %dma_wait3A_166 = arith.constant 1 : i32
    %dma_wait3A_167 = arith.constant 0 : i32
    %dma_wait3A_168 = arith.constant 0 : i32
    %dma_wait3A_169 = tpu.memref_slice %arg6[%dma_wait3A_166, %dma_wait3A_167, %dma_wait3A_168] : memref<2x336x128xf32, #tpu.memory_space<vmem>> -> memref<1x336x128xf32, #tpu.memory_space<vmem>>
    %dma_wait3A_170 = tpu.memref_squeeze %dma_wait3A_169 : memref<1x336x128xf32, #tpu.memory_space<vmem>> -> memref<336x128xf32, #tpu.memory_space<vmem>>
    %dma_wait3A_171 = arith.constant 0 : i32
    %dma_wait3A_172 = tpu.memref_slice %arg5[%dma_wait3A_171] : memref<1344xi32, #tpu.memory_space<vmem>> -> memref<336xi32, #tpu.memory_space<vmem>>
    %dma_wait3A_173 = arith.constant 0 : i32
    %dma_wait3A_174 = arith.constant 0 : i32
    %dma_wait3A_175 = tpu.memref_slice %arg2[%dma_wait3A_173, %dma_wait3A_174] : memref<116736x128xf32, #tpu.memory_space<hbm>> -> memref<116736x128xf32, #tpu.memory_space<hbm>>
    tpu.wait_indirect_dma semaphore(%arg8 : memref<!tpu.dma_semaphore, #tpu.memory_space<semaphore_mem>>) src(%dma_wait3A_175 : memref<116736x128xf32, #tpu.memory_space<hbm>>) dst(%dma_wait3A_170 : memref<336x128xf32, #tpu.memory_space<vmem>>)
    %add3A_176 = arith.constant 0 : i32
    %add3A_177 = arith.addi %mul3A_2, %add3A_176 : i32
    %add3A_178 = arith.constant 1008 : i32
    %add3A_179 = arith.addi %add3A_177, %add3A_178 : i32
    %dma_start3A_180 = arith.constant 1 : i32
    %dma_start3A_181 = arith.constant 0 : i32
    %dma_start3A_182 = arith.constant 0 : i32
    %dma_start3A_183 = tpu.memref_slice %arg6[%dma_start3A_180, %dma_start3A_181, %dma_start3A_182] : memref<2x336x128xf32, #tpu.memory_space<vmem>> -> memref<1x336x128xf32, #tpu.memory_space<vmem>>
    %dma_start3A_184 = tpu.memref_squeeze %dma_start3A_183 : memref<1x336x128xf32, #tpu.memory_space<vmem>> -> memref<336x128xf32, #tpu.memory_space<vmem>>
    %dma_start3A_185 = arith.constant 0 : i32
    %dma_start3A_186 = tpu.memref_slice %arg4[%add3A_179, %dma_start3A_185] : memref<2709504x128xf32, #tpu.memory_space<hbm>> -> memref<336x128xf32, #tpu.memory_space<hbm>>
    %dma_start3A_187 = arith.constant 0 : i32
    %dma_start3A_188 = tpu.memref_slice %arg4[%add3A_179, %dma_start3A_187] : memref<2709504x128xf32, #tpu.memory_space<hbm>> -> memref<336x128xf32, #tpu.memory_space<hbm>>
    %dma_start3A_189 = arith.constant 0 : i32
    %dma_start3A_190 = arith.constant 0 : i32
    %dma_start3A_191 = tpu.memref_slice %arg6[%dma_start3A_180, %dma_start3A_189, %dma_start3A_190] : memref<2x336x128xf32, #tpu.memory_space<vmem>> -> memref<1x336x128xf32, #tpu.memory_space<vmem>>
    %dma_start3A_192 = tpu.memref_squeeze %dma_start3A_191 : memref<1x336x128xf32, #tpu.memory_space<vmem>> -> memref<336x128xf32, #tpu.memory_space<vmem>>
    tpu.enqueue_dma source(%dma_start3A_192 : memref<336x128xf32, #tpu.memory_space<vmem>>) target(%dma_start3A_188 : memref<336x128xf32, #tpu.memory_space<hbm>>) target_semaphore(%arg10 : memref<!tpu.dma_semaphore, #tpu.memory_space<semaphore_mem>>)
    %scan3A = arith.constant 0 : i32
    %scan3A_193 = arith.constant 1 : i32
    %scan3A_194 = arith.constant 62 : i32
    %scan3A_195 = arith.addi %scan3A_193, %scan3A_194 : i32
    %scan3A_196 = arith.constant 1 : i32
    scf.for %scan3A_224 = %scan3A_193 to %scan3A_195 step %scan3A_196  : i32 {
      %mul3A_225 = arith.constant 4 : i32
      %mul3A_226 = arith.muli %scan3A_224, %mul3A_225 : i32
      %mul3A_227 = arith.constant 336 : i32
      %mul3A_228 = arith.muli %mul3A_226, %mul3A_227 : i32
      %add3A_229 = arith.addi %mul3A_2, %mul3A_228 : i32
      "tpu.region"() ({
        %run_scoped3A = tpu.sem_alloc : memref<!tpu.dma_semaphore, #tpu.memory_space<semaphore_mem>>
        %dma_start3A_454 = tpu.memref_slice %arg3[%add3A_229] : memref<2709504xi32, #tpu.memory_space<hbm>> -> memref<1344xi32, #tpu.memory_space<hbm>>
        %dma_start3A_455 = tpu.memref_slice %arg3[%add3A_229] : memref<2709504xi32, #tpu.memory_space<hbm>> -> memref<1344xi32, #tpu.memory_space<hbm>>
        tpu.enqueue_dma source(%dma_start3A_455 : memref<1344xi32, #tpu.memory_space<hbm>>) target(%arg5 : memref<1344xi32, #tpu.memory_space<vmem>>) target_semaphore(%run_scoped3A : memref<!tpu.dma_semaphore, #tpu.memory_space<semaphore_mem>>)
        %dma_wait3A_456 = tpu.memref_slice %arg3[%add3A_229] : memref<2709504xi32, #tpu.memory_space<hbm>> -> memref<1344xi32, #tpu.memory_space<hbm>>
        %dma_wait3A_457 = tpu.memref_slice %arg3[%add3A_229] : memref<2709504xi32, #tpu.memory_space<hbm>> -> memref<1344xi32, #tpu.memory_space<hbm>>
        tpu.wait_dma2 semaphore(%run_scoped3A : memref<!tpu.dma_semaphore, #tpu.memory_space<semaphore_mem>>) src(%dma_wait3A_457 : memref<1344xi32, #tpu.memory_space<hbm>>) dst(%arg5 : memref<1344xi32, #tpu.memory_space<vmem>>)
        tpu.yield
      }) : () -> ()
      %mul3A_230 = arith.constant 1344 : i32
      %mul3A_231 = arith.muli %scan3A_224, %mul3A_230 : i32
      %add3A_232 = arith.addi %mul3A_2, %mul3A_231 : i32
      %add3A_233 = arith.constant 0 : i32
      %add3A_234 = arith.addi %add3A_232, %add3A_233 : i32
      %dma_wait3A_235 = arith.constant 0 : i32
      %dma_wait3A_236 = arith.constant 0 : i32
      %dma_wait3A_237 = arith.constant 0 : i32
      %dma_wait3A_238 = tpu.memref_slice %arg6[%dma_wait3A_235, %dma_wait3A_236, %dma_wait3A_237] : memref<2x336x128xf32, #tpu.memory_space<vmem>> -> memref<1x336x128xf32, #tpu.memory_space<vmem>>
      %dma_wait3A_239 = tpu.memref_squeeze %dma_wait3A_238 : memref<1x336x128xf32, #tpu.memory_space<vmem>> -> memref<336x128xf32, #tpu.memory_space<vmem>>
      %dma_wait3A_240 = arith.constant 0 : i32
      %dma_wait3A_241 = tpu.memref_slice %arg4[%mul3A_2, %dma_wait3A_240] : memref<2709504x128xf32, #tpu.memory_space<hbm>> -> memref<336x128xf32, #tpu.memory_space<hbm>>
      %dma_wait3A_242 = arith.constant 0 : i32
      %dma_wait3A_243 = tpu.memref_slice %arg4[%mul3A_2, %dma_wait3A_242] : memref<2709504x128xf32, #tpu.memory_space<hbm>> -> memref<336x128xf32, #tpu.memory_space<hbm>>
      %dma_wait3A_244 = arith.constant 0 : i32
      %dma_wait3A_245 = arith.constant 0 : i32
      %dma_wait3A_246 = tpu.memref_slice %arg6[%dma_wait3A_235, %dma_wait3A_244, %dma_wait3A_245] : memref<2x336x128xf32, #tpu.memory_space<vmem>> -> memref<1x336x128xf32, #tpu.memory_space<vmem>>
      %dma_wait3A_247 = tpu.memref_squeeze %dma_wait3A_246 : memref<1x336x128xf32, #tpu.memory_space<vmem>> -> memref<336x128xf32, #tpu.memory_space<vmem>>
      tpu.wait_dma2 semaphore(%arg9 : memref<!tpu.dma_semaphore, #tpu.memory_space<semaphore_mem>>) src(%dma_wait3A_247 : memref<336x128xf32, #tpu.memory_space<vmem>>) dst(%dma_wait3A_243 : memref<336x128xf32, #tpu.memory_space<hbm>>)
      %dma_start3A_248 = arith.constant 0 : i32
      %dma_start3A_249 = arith.constant 0 : i32
      %dma_start3A_250 = arith.constant 0 : i32
      %dma_start3A_251 = tpu.memref_slice %arg6[%dma_start3A_248, %dma_start3A_249, %dma_start3A_250] : memref<2x336x128xf32, #tpu.memory_space<vmem>> -> memref<1x336x128xf32, #tpu.memory_space<vmem>>
      %dma_start3A_252 = tpu.memref_squeeze %dma_start3A_251 : memref<1x336x128xf32, #tpu.memory_space<vmem>> -> memref<336x128xf32, #tpu.memory_space<vmem>>
      %dma_start3A_253 = arith.constant 0 : i32
      %dma_start3A_254 = tpu.memref_slice %arg5[%dma_start3A_253] : memref<1344xi32, #tpu.memory_space<vmem>> -> memref<336xi32, #tpu.memory_space<vmem>>
      %dma_start3A_255 = arith.constant 0 : i32
      %dma_start3A_256 = arith.constant 0 : i32
      %dma_start3A_257 = tpu.memref_slice %arg2[%dma_start3A_255, %dma_start3A_256] : memref<116736x128xf32, #tpu.memory_space<hbm>> -> memref<116736x128xf32, #tpu.memory_space<hbm>>
      tpu.enqueue_indirect_dma source(%dma_start3A_257 : memref<116736x128xf32, #tpu.memory_space<hbm>>) target(%dma_start3A_252 : memref<336x128xf32, #tpu.memory_space<vmem>>) offsets(%dma_start3A_254 : memref<336xi32, #tpu.memory_space<vmem>>) semaphore(%arg7 : memref<!tpu.dma_semaphore, #tpu.memory_space<semaphore_mem>>)
      %mul3A_258 = arith.constant 1344 : i32
      %mul3A_259 = arith.muli %scan3A_224, %mul3A_258 : i32
      %add3A_260 = arith.addi %mul3A_2, %mul3A_259 : i32
      %add3A_261 = arith.constant 336 : i32
      %add3A_262 = arith.addi %add3A_260, %add3A_261 : i32
      %dma_wait3A_263 = arith.constant 1 : i32
      %dma_wait3A_264 = arith.constant 0 : i32
      %dma_wait3A_265 = arith.constant 0 : i32
      %dma_wait3A_266 = tpu.memref_slice %arg6[%dma_wait3A_263, %dma_wait3A_264, %dma_wait3A_265] : memref<2x336x128xf32, #tpu.memory_space<vmem>> -> memref<1x336x128xf32, #tpu.memory_space<vmem>>
      %dma_wait3A_267 = tpu.memref_squeeze %dma_wait3A_266 : memref<1x336x128xf32, #tpu.memory_space<vmem>> -> memref<336x128xf32, #tpu.memory_space<vmem>>
      %dma_wait3A_268 = arith.constant 0 : i32
      %dma_wait3A_269 = tpu.memref_slice %arg4[%mul3A_2, %dma_wait3A_268] : memref<2709504x128xf32, #tpu.memory_space<hbm>> -> memref<336x128xf32, #tpu.memory_space<hbm>>
      %dma_wait3A_270 = arith.constant 0 : i32
      %dma_wait3A_271 = tpu.memref_slice %arg4[%mul3A_2, %dma_wait3A_270] : memref<2709504x128xf32, #tpu.memory_space<hbm>> -> memref<336x128xf32, #tpu.memory_space<hbm>>
      %dma_wait3A_272 = arith.constant 0 : i32
      %dma_wait3A_273 = arith.constant 0 : i32
      %dma_wait3A_274 = tpu.memref_slice %arg6[%dma_wait3A_263, %dma_wait3A_272, %dma_wait3A_273] : memref<2x336x128xf32, #tpu.memory_space<vmem>> -> memref<1x336x128xf32, #tpu.memory_space<vmem>>
      %dma_wait3A_275 = tpu.memref_squeeze %dma_wait3A_274 : memref<1x336x128xf32, #tpu.memory_space<vmem>> -> memref<336x128xf32, #tpu.memory_space<vmem>>
      tpu.wait_dma2 semaphore(%arg10 : memref<!tpu.dma_semaphore, #tpu.memory_space<semaphore_mem>>) src(%dma_wait3A_275 : memref<336x128xf32, #tpu.memory_space<vmem>>) dst(%dma_wait3A_271 : memref<336x128xf32, #tpu.memory_space<hbm>>)
      %dma_start3A_276 = arith.constant 1 : i32
      %dma_start3A_277 = arith.constant 0 : i32
      %dma_start3A_278 = arith.constant 0 : i32
      %dma_start3A_279 = tpu.memref_slice %arg6[%dma_start3A_276, %dma_start3A_277, %dma_start3A_278] : memref<2x336x128xf32, #tpu.memory_space<vmem>> -> memref<1x336x128xf32, #tpu.memory_space<vmem>>
      %dma_start3A_280 = tpu.memref_squeeze %dma_start3A_279 : memref<1x336x128xf32, #tpu.memory_space<vmem>> -> memref<336x128xf32, #tpu.memory_space<vmem>>
      %dma_start3A_281 = arith.constant 336 : i32
      %dma_start3A_282 = tpu.memref_slice %arg5[%dma_start3A_281] : memref<1344xi32, #tpu.memory_space<vmem>> -> memref<336xi32, #tpu.memory_space<vmem>>
      %dma_start3A_283 = arith.constant 0 : i32
      %dma_start3A_284 = arith.constant 0 : i32
      %dma_start3A_285 = tpu.memref_slice %arg2[%dma_start3A_283, %dma_start3A_284] : memref<116736x128xf32, #tpu.memory_space<hbm>> -> memref<116736x128xf32, #tpu.memory_space<hbm>>
      tpu.enqueue_indirect_dma source(%dma_start3A_285 : memref<116736x128xf32, #tpu.memory_space<hbm>>) target(%dma_start3A_280 : memref<336x128xf32, #tpu.memory_space<vmem>>) offsets(%dma_start3A_282 : memref<336xi32, #tpu.memory_space<vmem>>) semaphore(%arg8 : memref<!tpu.dma_semaphore, #tpu.memory_space<semaphore_mem>>)
      %mul3A_286 = arith.constant 1344 : i32
      %mul3A_287 = arith.muli %scan3A_224, %mul3A_286 : i32
      %add3A_288 = arith.addi %mul3A_2, %mul3A_287 : i32
      %add3A_289 = arith.constant 0 : i32
      %add3A_290 = arith.addi %add3A_288, %add3A_289 : i32
      %dma_wait3A_291 = arith.constant 0 : i32
      %dma_wait3A_292 = arith.constant 0 : i32
      %dma_wait3A_293 = arith.constant 0 : i32
      %dma_wait3A_294 = tpu.memref_slice %arg6[%dma_wait3A_291, %dma_wait3A_292, %dma_wait3A_293] : memref<2x336x128xf32, #tpu.memory_space<vmem>> -> memref<1x336x128xf32, #tpu.memory_space<vmem>>
      %dma_wait3A_295 = tpu.memref_squeeze %dma_wait3A_294 : memref<1x336x128xf32, #tpu.memory_space<vmem>> -> memref<336x128xf32, #tpu.memory_space<vmem>>
      %dma_wait3A_296 = arith.constant 0 : i32
      %dma_wait3A_297 = tpu.memref_slice %arg5[%dma_wait3A_296] : memref<1344xi32, #tpu.memory_space<vmem>> -> memref<336xi32, #tpu.memory_space<vmem>>
      %dma_wait3A_298 = arith.constant 0 : i32
      %dma_wait3A_299 = arith.constant 0 : i32
      %dma_wait3A_300 = tpu.memref_slice %arg2[%dma_wait3A_298, %dma_wait3A_299] : memref<116736x128xf32, #tpu.memory_space<hbm>> -> memref<116736x128xf32, #tpu.memory_space<hbm>>
      tpu.wait_indirect_dma semaphore(%arg7 : memref<!tpu.dma_semaphore, #tpu.memory_space<semaphore_mem>>) src(%dma_wait3A_300 : memref<116736x128xf32, #tpu.memory_space<hbm>>) dst(%dma_wait3A_295 : memref<336x128xf32, #tpu.memory_space<vmem>>)
      %dma_start3A_301 = arith.constant 0 : i32
      %dma_start3A_302 = arith.constant 0 : i32
      %dma_start3A_303 = arith.constant 0 : i32
      %dma_start3A_304 = tpu.memref_slice %arg6[%dma_start3A_301, %dma_start3A_302, %dma_start3A_303] : memref<2x336x128xf32, #tpu.memory_space<vmem>> -> memref<1x336x128xf32, #tpu.memory_space<vmem>>
      %dma_start3A_305 = tpu.memref_squeeze %dma_start3A_304 : memref<1x336x128xf32, #tpu.memory_space<vmem>> -> memref<336x128xf32, #tpu.memory_space<vmem>>
      %dma_start3A_306 = arith.constant 0 : i32
      %dma_start3A_307 = tpu.memref_slice %arg4[%add3A_290, %dma_start3A_306] : memref<2709504x128xf32, #tpu.memory_space<hbm>> -> memref<336x128xf32, #tpu.memory_space<hbm>>
      %dma_start3A_308 = arith.constant 0 : i32
      %dma_start3A_309 = tpu.memref_slice %arg4[%add3A_290, %dma_start3A_308] : memref<2709504x128xf32, #tpu.memory_space<hbm>> -> memref<336x128xf32, #tpu.memory_space<hbm>>
      %dma_start3A_310 = arith.constant 0 : i32
      %dma_start3A_311 = arith.constant 0 : i32
      %dma_start3A_312 = tpu.memref_slice %arg6[%dma_start3A_301, %dma_start3A_310, %dma_start3A_311] : memref<2x336x128xf32, #tpu.memory_space<vmem>> -> memref<1x336x128xf32, #tpu.memory_space<vmem>>
      %dma_start3A_313 = tpu.memref_squeeze %dma_start3A_312 : memref<1x336x128xf32, #tpu.memory_space<vmem>> -> memref<336x128xf32, #tpu.memory_space<vmem>>
      tpu.enqueue_dma source(%dma_start3A_313 : memref<336x128xf32, #tpu.memory_space<vmem>>) target(%dma_start3A_309 : memref<336x128xf32, #tpu.memory_space<hbm>>) target_semaphore(%arg9 : memref<!tpu.dma_semaphore, #tpu.memory_space<semaphore_mem>>)
      %mul3A_314 = arith.constant 1344 : i32
      %mul3A_315 = arith.muli %scan3A_224, %mul3A_314 : i32
      %add3A_316 = arith.addi %mul3A_2, %mul3A_315 : i32
      %add3A_317 = arith.constant 672 : i32
      %add3A_318 = arith.addi %add3A_316, %add3A_317 : i32
      %dma_wait3A_319 = arith.constant 0 : i32
      %dma_wait3A_320 = arith.constant 0 : i32
      %dma_wait3A_321 = arith.constant 0 : i32
      %dma_wait3A_322 = tpu.memref_slice %arg6[%dma_wait3A_319, %dma_wait3A_320, %dma_wait3A_321] : memref<2x336x128xf32, #tpu.memory_space<vmem>> -> memref<1x336x128xf32, #tpu.memory_space<vmem>>
      %dma_wait3A_323 = tpu.memref_squeeze %dma_wait3A_322 : memref<1x336x128xf32, #tpu.memory_space<vmem>> -> memref<336x128xf32, #tpu.memory_space<vmem>>
      %dma_wait3A_324 = arith.constant 0 : i32
      %dma_wait3A_325 = tpu.memref_slice %arg4[%mul3A_2, %dma_wait3A_324] : memref<2709504x128xf32, #tpu.memory_space<hbm>> -> memref<336x128xf32, #tpu.memory_space<hbm>>
      %dma_wait3A_326 = arith.constant 0 : i32
      %dma_wait3A_327 = tpu.memref_slice %arg4[%mul3A_2, %dma_wait3A_326] : memref<2709504x128xf32, #tpu.memory_space<hbm>> -> memref<336x128xf32, #tpu.memory_space<hbm>>
      %dma_wait3A_328 = arith.constant 0 : i32
      %dma_wait3A_329 = arith.constant 0 : i32
      %dma_wait3A_330 = tpu.memref_slice %arg6[%dma_wait3A_319, %dma_wait3A_328, %dma_wait3A_329] : memref<2x336x128xf32, #tpu.memory_space<vmem>> -> memref<1x336x128xf32, #tpu.memory_space<vmem>>
      %dma_wait3A_331 = tpu.memref_squeeze %dma_wait3A_330 : memref<1x336x128xf32, #tpu.memory_space<vmem>> -> memref<336x128xf32, #tpu.memory_space<vmem>>
      tpu.wait_dma2 semaphore(%arg9 : memref<!tpu.dma_semaphore, #tpu.memory_space<semaphore_mem>>) src(%dma_wait3A_331 : memref<336x128xf32, #tpu.memory_space<vmem>>) dst(%dma_wait3A_327 : memref<336x128xf32, #tpu.memory_space<hbm>>)
      %dma_start3A_332 = arith.constant 0 : i32
      %dma_start3A_333 = arith.constant 0 : i32
      %dma_start3A_334 = arith.constant 0 : i32
      %dma_start3A_335 = tpu.memref_slice %arg6[%dma_start3A_332, %dma_start3A_333, %dma_start3A_334] : memref<2x336x128xf32, #tpu.memory_space<vmem>> -> memref<1x336x128xf32, #tpu.memory_space<vmem>>
      %dma_start3A_336 = tpu.memref_squeeze %dma_start3A_335 : memref<1x336x128xf32, #tpu.memory_space<vmem>> -> memref<336x128xf32, #tpu.memory_space<vmem>>
      %dma_start3A_337 = arith.constant 672 : i32
      %dma_start3A_338 = tpu.memref_slice %arg5[%dma_start3A_337] : memref<1344xi32, #tpu.memory_space<vmem>> -> memref<336xi32, #tpu.memory_space<vmem>>
      %dma_start3A_339 = arith.constant 0 : i32
      %dma_start3A_340 = arith.constant 0 : i32
      %dma_start3A_341 = tpu.memref_slice %arg2[%dma_start3A_339, %dma_start3A_340] : memref<116736x128xf32, #tpu.memory_space<hbm>> -> memref<116736x128xf32, #tpu.memory_space<hbm>>
      tpu.enqueue_indirect_dma source(%dma_start3A_341 : memref<116736x128xf32, #tpu.memory_space<hbm>>) target(%dma_start3A_336 : memref<336x128xf32, #tpu.memory_space<vmem>>) offsets(%dma_start3A_338 : memref<336xi32, #tpu.memory_space<vmem>>) semaphore(%arg7 : memref<!tpu.dma_semaphore, #tpu.memory_space<semaphore_mem>>)
      %mul3A_342 = arith.constant 1344 : i32
      %mul3A_343 = arith.muli %scan3A_224, %mul3A_342 : i32
      %add3A_344 = arith.addi %mul3A_2, %mul3A_343 : i32
      %add3A_345 = arith.constant 336 : i32
      %add3A_346 = arith.addi %add3A_344, %add3A_345 : i32
      %dma_wait3A_347 = arith.constant 1 : i32
      %dma_wait3A_348 = arith.constant 0 : i32
      %dma_wait3A_349 = arith.constant 0 : i32
      %dma_wait3A_350 = tpu.memref_slice %arg6[%dma_wait3A_347, %dma_wait3A_348, %dma_wait3A_349] : memref<2x336x128xf32, #tpu.memory_space<vmem>> -> memref<1x336x128xf32, #tpu.memory_space<vmem>>
      %dma_wait3A_351 = tpu.memref_squeeze %dma_wait3A_350 : memref<1x336x128xf32, #tpu.memory_space<vmem>> -> memref<336x128xf32, #tpu.memory_space<vmem>>
      %dma_wait3A_352 = arith.constant 0 : i32
      %dma_wait3A_353 = tpu.memref_slice %arg5[%dma_wait3A_352] : memref<1344xi32, #tpu.memory_space<vmem>> -> memref<336xi32, #tpu.memory_space<vmem>>
      %dma_wait3A_354 = arith.constant 0 : i32
      %dma_wait3A_355 = arith.constant 0 : i32
      %dma_wait3A_356 = tpu.memref_slice %arg2[%dma_wait3A_354, %dma_wait3A_355] : memref<116736x128xf32, #tpu.memory_space<hbm>> -> memref<116736x128xf32, #tpu.memory_space<hbm>>
      tpu.wait_indirect_dma semaphore(%arg8 : memref<!tpu.dma_semaphore, #tpu.memory_space<semaphore_mem>>) src(%dma_wait3A_356 : memref<116736x128xf32, #tpu.memory_space<hbm>>) dst(%dma_wait3A_351 : memref<336x128xf32, #tpu.memory_space<vmem>>)
      %dma_start3A_357 = arith.constant 1 : i32
      %dma_start3A_358 = arith.constant 0 : i32
      %dma_start3A_359 = arith.constant 0 : i32
      %dma_start3A_360 = tpu.memref_slice %arg6[%dma_start3A_357, %dma_start3A_358, %dma_start3A_359] : memref<2x336x128xf32, #tpu.memory_space<vmem>> -> memref<1x336x128xf32, #tpu.memory_space<vmem>>
      %dma_start3A_361 = tpu.memref_squeeze %dma_start3A_360 : memref<1x336x128xf32, #tpu.memory_space<vmem>> -> memref<336x128xf32, #tpu.memory_space<vmem>>
      %dma_start3A_362 = arith.constant 0 : i32
      %dma_start3A_363 = tpu.memref_slice %arg4[%add3A_346, %dma_start3A_362] : memref<2709504x128xf32, #tpu.memory_space<hbm>> -> memref<336x128xf32, #tpu.memory_space<hbm>>
      %dma_start3A_364 = arith.constant 0 : i32
      %dma_start3A_365 = tpu.memref_slice %arg4[%add3A_346, %dma_start3A_364] : memref<2709504x128xf32, #tpu.memory_space<hbm>> -> memref<336x128xf32, #tpu.memory_space<hbm>>
      %dma_start3A_366 = arith.constant 0 : i32
      %dma_start3A_367 = arith.constant 0 : i32
      %dma_start3A_368 = tpu.memref_slice %arg6[%dma_start3A_357, %dma_start3A_366, %dma_start3A_367] : memref<2x336x128xf32, #tpu.memory_space<vmem>> -> memref<1x336x128xf32, #tpu.memory_space<vmem>>
      %dma_start3A_369 = tpu.memref_squeeze %dma_start3A_368 : memref<1x336x128xf32, #tpu.memory_space<vmem>> -> memref<336x128xf32, #tpu.memory_space<vmem>>
      tpu.enqueue_dma source(%dma_start3A_369 : memref<336x128xf32, #tpu.memory_space<vmem>>) target(%dma_start3A_365 : memref<336x128xf32, #tpu.memory_space<hbm>>) target_semaphore(%arg10 : memref<!tpu.dma_semaphore, #tpu.memory_space<semaphore_mem>>)
      %mul3A_370 = arith.constant 1344 : i32
      %mul3A_371 = arith.muli %scan3A_224, %mul3A_370 : i32
      %add3A_372 = arith.addi %mul3A_2, %mul3A_371 : i32
      %add3A_373 = arith.constant 1008 : i32
      %add3A_374 = arith.addi %add3A_372, %add3A_373 : i32
      %dma_wait3A_375 = arith.constant 1 : i32
      %dma_wait3A_376 = arith.constant 0 : i32
      %dma_wait3A_377 = arith.constant 0 : i32
      %dma_wait3A_378 = tpu.memref_slice %arg6[%dma_wait3A_375, %dma_wait3A_376, %dma_wait3A_377] : memref<2x336x128xf32, #tpu.memory_space<vmem>> -> memref<1x336x128xf32, #tpu.memory_space<vmem>>
      %dma_wait3A_379 = tpu.memref_squeeze %dma_wait3A_378 : memref<1x336x128xf32, #tpu.memory_space<vmem>> -> memref<336x128xf32, #tpu.memory_space<vmem>>
      %dma_wait3A_380 = arith.constant 0 : i32
      %dma_wait3A_381 = tpu.memref_slice %arg4[%mul3A_2, %dma_wait3A_380] : memref<2709504x128xf32, #tpu.memory_space<hbm>> -> memref<336x128xf32, #tpu.memory_space<hbm>>
      %dma_wait3A_382 = arith.constant 0 : i32
      %dma_wait3A_383 = tpu.memref_slice %arg4[%mul3A_2, %dma_wait3A_382] : memref<2709504x128xf32, #tpu.memory_space<hbm>> -> memref<336x128xf32, #tpu.memory_space<hbm>>
      %dma_wait3A_384 = arith.constant 0 : i32
      %dma_wait3A_385 = arith.constant 0 : i32
      %dma_wait3A_386 = tpu.memref_slice %arg6[%dma_wait3A_375, %dma_wait3A_384, %dma_wait3A_385] : memref<2x336x128xf32, #tpu.memory_space<vmem>> -> memref<1x336x128xf32, #tpu.memory_space<vmem>>
      %dma_wait3A_387 = tpu.memref_squeeze %dma_wait3A_386 : memref<1x336x128xf32, #tpu.memory_space<vmem>> -> memref<336x128xf32, #tpu.memory_space<vmem>>
      tpu.wait_dma2 semaphore(%arg10 : memref<!tpu.dma_semaphore, #tpu.memory_space<semaphore_mem>>) src(%dma_wait3A_387 : memref<336x128xf32, #tpu.memory_space<vmem>>) dst(%dma_wait3A_383 : memref<336x128xf32, #tpu.memory_space<hbm>>)
      %dma_start3A_388 = arith.constant 1 : i32
      %dma_start3A_389 = arith.constant 0 : i32
      %dma_start3A_390 = arith.constant 0 : i32
      %dma_start3A_391 = tpu.memref_slice %arg6[%dma_start3A_388, %dma_start3A_389, %dma_start3A_390] : memref<2x336x128xf32, #tpu.memory_space<vmem>> -> memref<1x336x128xf32, #tpu.memory_space<vmem>>
      %dma_start3A_392 = tpu.memref_squeeze %dma_start3A_391 : memref<1x336x128xf32, #tpu.memory_space<vmem>> -> memref<336x128xf32, #tpu.memory_space<vmem>>
      %dma_start3A_393 = arith.constant 1008 : i32
      %dma_start3A_394 = tpu.memref_slice %arg5[%dma_start3A_393] : memref<1344xi32, #tpu.memory_space<vmem>> -> memref<336xi32, #tpu.memory_space<vmem>>
      %dma_start3A_395 = arith.constant 0 : i32
      %dma_start3A_396 = arith.constant 0 : i32
      %dma_start3A_397 = tpu.memref_slice %arg2[%dma_start3A_395, %dma_start3A_396] : memref<116736x128xf32, #tpu.memory_space<hbm>> -> memref<116736x128xf32, #tpu.memory_space<hbm>>
      tpu.enqueue_indirect_dma source(%dma_start3A_397 : memref<116736x128xf32, #tpu.memory_space<hbm>>) target(%dma_start3A_392 : memref<336x128xf32, #tpu.memory_space<vmem>>) offsets(%dma_start3A_394 : memref<336xi32, #tpu.memory_space<vmem>>) semaphore(%arg8 : memref<!tpu.dma_semaphore, #tpu.memory_space<semaphore_mem>>)
      %mul3A_398 = arith.constant 1344 : i32
      %mul3A_399 = arith.muli %scan3A_224, %mul3A_398 : i32
      %add3A_400 = arith.addi %mul3A_2, %mul3A_399 : i32
      %add3A_401 = arith.constant 672 : i32
      %add3A_402 = arith.addi %add3A_400, %add3A_401 : i32
      %dma_wait3A_403 = arith.constant 0 : i32
      %dma_wait3A_404 = arith.constant 0 : i32
      %dma_wait3A_405 = arith.constant 0 : i32
      %dma_wait3A_406 = tpu.memref_slice %arg6[%dma_wait3A_403, %dma_wait3A_404, %dma_wait3A_405] : memref<2x336x128xf32, #tpu.memory_space<vmem>> -> memref<1x336x128xf32, #tpu.memory_space<vmem>>
      %dma_wait3A_407 = tpu.memref_squeeze %dma_wait3A_406 : memref<1x336x128xf32, #tpu.memory_space<vmem>> -> memref<336x128xf32, #tpu.memory_space<vmem>>
      %dma_wait3A_408 = arith.constant 0 : i32
      %dma_wait3A_409 = tpu.memref_slice %arg5[%dma_wait3A_408] : memref<1344xi32, #tpu.memory_space<vmem>> -> memref<336xi32, #tpu.memory_space<vmem>>
      %dma_wait3A_410 = arith.constant 0 : i32
      %dma_wait3A_411 = arith.constant 0 : i32
      %dma_wait3A_412 = tpu.memref_slice %arg2[%dma_wait3A_410, %dma_wait3A_411] : memref<116736x128xf32, #tpu.memory_space<hbm>> -> memref<116736x128xf32, #tpu.memory_space<hbm>>
      tpu.wait_indirect_dma semaphore(%arg7 : memref<!tpu.dma_semaphore, #tpu.memory_space<semaphore_mem>>) src(%dma_wait3A_412 : memref<116736x128xf32, #tpu.memory_space<hbm>>) dst(%dma_wait3A_407 : memref<336x128xf32, #tpu.memory_space<vmem>>)
      %dma_start3A_413 = arith.constant 0 : i32
      %dma_start3A_414 = arith.constant 0 : i32
      %dma_start3A_415 = arith.constant 0 : i32
      %dma_start3A_416 = tpu.memref_slice %arg6[%dma_start3A_413, %dma_start3A_414, %dma_start3A_415] : memref<2x336x128xf32, #tpu.memory_space<vmem>> -> memref<1x336x128xf32, #tpu.memory_space<vmem>>
      %dma_start3A_417 = tpu.memref_squeeze %dma_start3A_416 : memref<1x336x128xf32, #tpu.memory_space<vmem>> -> memref<336x128xf32, #tpu.memory_space<vmem>>
      %dma_start3A_418 = arith.constant 0 : i32
      %dma_start3A_419 = tpu.memref_slice %arg4[%add3A_402, %dma_start3A_418] : memref<2709504x128xf32, #tpu.memory_space<hbm>> -> memref<336x128xf32, #tpu.memory_space<hbm>>
      %dma_start3A_420 = arith.constant 0 : i32
      %dma_start3A_421 = tpu.memref_slice %arg4[%add3A_402, %dma_start3A_420] : memref<2709504x128xf32, #tpu.memory_space<hbm>> -> memref<336x128xf32, #tpu.memory_space<hbm>>
      %dma_start3A_422 = arith.constant 0 : i32
      %dma_start3A_423 = arith.constant 0 : i32
      %dma_start3A_424 = tpu.memref_slice %arg6[%dma_start3A_413, %dma_start3A_422, %dma_start3A_423] : memref<2x336x128xf32, #tpu.memory_space<vmem>> -> memref<1x336x128xf32, #tpu.memory_space<vmem>>
      %dma_start3A_425 = tpu.memref_squeeze %dma_start3A_424 : memref<1x336x128xf32, #tpu.memory_space<vmem>> -> memref<336x128xf32, #tpu.memory_space<vmem>>
      tpu.enqueue_dma source(%dma_start3A_425 : memref<336x128xf32, #tpu.memory_space<vmem>>) target(%dma_start3A_421 : memref<336x128xf32, #tpu.memory_space<hbm>>) target_semaphore(%arg9 : memref<!tpu.dma_semaphore, #tpu.memory_space<semaphore_mem>>)
      %dma_wait3A_426 = arith.constant 1 : i32
      %dma_wait3A_427 = arith.constant 0 : i32
      %dma_wait3A_428 = arith.constant 0 : i32
      %dma_wait3A_429 = tpu.memref_slice %arg6[%dma_wait3A_426, %dma_wait3A_427, %dma_wait3A_428] : memref<2x336x128xf32, #tpu.memory_space<vmem>> -> memref<1x336x128xf32, #tpu.memory_space<vmem>>
      %dma_wait3A_430 = tpu.memref_squeeze %dma_wait3A_429 : memref<1x336x128xf32, #tpu.memory_space<vmem>> -> memref<336x128xf32, #tpu.memory_space<vmem>>
      %dma_wait3A_431 = arith.constant 0 : i32
      %dma_wait3A_432 = tpu.memref_slice %arg5[%dma_wait3A_431] : memref<1344xi32, #tpu.memory_space<vmem>> -> memref<336xi32, #tpu.memory_space<vmem>>
      %dma_wait3A_433 = arith.constant 0 : i32
      %dma_wait3A_434 = arith.constant 0 : i32
      %dma_wait3A_435 = tpu.memref_slice %arg2[%dma_wait3A_433, %dma_wait3A_434] : memref<116736x128xf32, #tpu.memory_space<hbm>> -> memref<116736x128xf32, #tpu.memory_space<hbm>>
      tpu.wait_indirect_dma semaphore(%arg8 : memref<!tpu.dma_semaphore, #tpu.memory_space<semaphore_mem>>) src(%dma_wait3A_435 : memref<116736x128xf32, #tpu.memory_space<hbm>>) dst(%dma_wait3A_430 : memref<336x128xf32, #tpu.memory_space<vmem>>)
      %mul3A_436 = arith.constant 1344 : i32
      %mul3A_437 = arith.muli %scan3A_224, %mul3A_436 : i32
      %add3A_438 = arith.addi %mul3A_2, %mul3A_437 : i32
      %add3A_439 = arith.constant 1008 : i32
      %add3A_440 = arith.addi %add3A_438, %add3A_439 : i32
      %dma_start3A_441 = arith.constant 1 : i32
      %dma_start3A_442 = arith.constant 0 : i32
      %dma_start3A_443 = arith.constant 0 : i32
      %dma_start3A_444 = tpu.memref_slice %arg6[%dma_start3A_441, %dma_start3A_442, %dma_start3A_443] : memref<2x336x128xf32, #tpu.memory_space<vmem>> -> memref<1x336x128xf32, #tpu.memory_space<vmem>>
      %dma_start3A_445 = tpu.memref_squeeze %dma_start3A_444 : memref<1x336x128xf32, #tpu.memory_space<vmem>> -> memref<336x128xf32, #tpu.memory_space<vmem>>
      %dma_start3A_446 = arith.constant 0 : i32
      %dma_start3A_447 = tpu.memref_slice %arg4[%add3A_440, %dma_start3A_446] : memref<2709504x128xf32, #tpu.memory_space<hbm>> -> memref<336x128xf32, #tpu.memory_space<hbm>>
      %dma_start3A_448 = arith.constant 0 : i32
      %dma_start3A_449 = tpu.memref_slice %arg4[%add3A_440, %dma_start3A_448] : memref<2709504x128xf32, #tpu.memory_space<hbm>> -> memref<336x128xf32, #tpu.memory_space<hbm>>
      %dma_start3A_450 = arith.constant 0 : i32
      %dma_start3A_451 = arith.constant 0 : i32
      %dma_start3A_452 = tpu.memref_slice %arg6[%dma_start3A_441, %dma_start3A_450, %dma_start3A_451] : memref<2x336x128xf32, #tpu.memory_space<vmem>> -> memref<1x336x128xf32, #tpu.memory_space<vmem>>
      %dma_start3A_453 = tpu.memref_squeeze %dma_start3A_452 : memref<1x336x128xf32, #tpu.memory_space<vmem>> -> memref<336x128xf32, #tpu.memory_space<vmem>>
      tpu.enqueue_dma source(%dma_start3A_453 : memref<336x128xf32, #tpu.memory_space<vmem>>) target(%dma_start3A_449 : memref<336x128xf32, #tpu.memory_space<hbm>>) target_semaphore(%arg10 : memref<!tpu.dma_semaphore, #tpu.memory_space<semaphore_mem>>)
    }
    %scan3A_197 = arith.constant 62 : i32
    %dma_wait3A_198 = arith.constant 0 : i32
    %dma_wait3A_199 = arith.constant 0 : i32
    %dma_wait3A_200 = arith.constant 0 : i32
    %dma_wait3A_201 = tpu.memref_slice %arg6[%dma_wait3A_198, %dma_wait3A_199, %dma_wait3A_200] : memref<2x336x128xf32, #tpu.memory_space<vmem>> -> memref<1x336x128xf32, #tpu.memory_space<vmem>>
    %dma_wait3A_202 = tpu.memref_squeeze %dma_wait3A_201 : memref<1x336x128xf32, #tpu.memory_space<vmem>> -> memref<336x128xf32, #tpu.memory_space<vmem>>
    %dma_wait3A_203 = arith.constant 0 : i32
    %dma_wait3A_204 = tpu.memref_slice %arg4[%mul3A_2, %dma_wait3A_203] : memref<2709504x128xf32, #tpu.memory_space<hbm>> -> memref<336x128xf32, #tpu.memory_space<hbm>>
    %dma_wait3A_205 = arith.constant 0 : i32
    %dma_wait3A_206 = tpu.memref_slice %arg4[%mul3A_2, %dma_wait3A_205] : memref<2709504x128xf32, #tpu.memory_space<hbm>> -> memref<336x128xf32, #tpu.memory_space<hbm>>
    %dma_wait3A_207 = arith.constant 0 : i32
    %dma_wait3A_208 = arith.constant 0 : i32
    %dma_wait3A_209 = tpu.memref_slice %arg6[%dma_wait3A_198, %dma_wait3A_207, %dma_wait3A_208] : memref<2x336x128xf32, #tpu.memory_space<vmem>> -> memref<1x336x128xf32, #tpu.memory_space<vmem>>
    %dma_wait3A_210 = tpu.memref_squeeze %dma_wait3A_209 : memref<1x336x128xf32, #tpu.memory_space<vmem>> -> memref<336x128xf32, #tpu.memory_space<vmem>>
    tpu.wait_dma2 semaphore(%arg9 : memref<!tpu.dma_semaphore, #tpu.memory_space<semaphore_mem>>) src(%dma_wait3A_210 : memref<336x128xf32, #tpu.memory_space<vmem>>) dst(%dma_wait3A_206 : memref<336x128xf32, #tpu.memory_space<hbm>>)
    %dma_wait3A_211 = arith.constant 1 : i32
    %dma_wait3A_212 = arith.constant 0 : i32
    %dma_wait3A_213 = arith.constant 0 : i32
    %dma_wait3A_214 = tpu.memref_slice %arg6[%dma_wait3A_211, %dma_wait3A_212, %dma_wait3A_213] : memref<2x336x128xf32, #tpu.memory_space<vmem>> -> memref<1x336x128xf32, #tpu.memory_space<vmem>>
    %dma_wait3A_215 = tpu.memref_squeeze %dma_wait3A_214 : memref<1x336x128xf32, #tpu.memory_space<vmem>> -> memref<336x128xf32, #tpu.memory_space<vmem>>
    %dma_wait3A_216 = arith.constant 0 : i32
    %dma_wait3A_217 = tpu.memref_slice %arg4[%mul3A_2, %dma_wait3A_216] : memref<2709504x128xf32, #tpu.memory_space<hbm>> -> memref<336x128xf32, #tpu.memory_space<hbm>>
    %dma_wait3A_218 = arith.constant 0 : i32
    %dma_wait3A_219 = tpu.memref_slice %arg4[%mul3A_2, %dma_wait3A_218] : memref<2709504x128xf32, #tpu.memory_space<hbm>> -> memref<336x128xf32, #tpu.memory_space<hbm>>
    %dma_wait3A_220 = arith.constant 0 : i32
    %dma_wait3A_221 = arith.constant 0 : i32
    %dma_wait3A_222 = tpu.memref_slice %arg6[%dma_wait3A_211, %dma_wait3A_220, %dma_wait3A_221] : memref<2x336x128xf32, #tpu.memory_space<vmem>> -> memref<1x336x128xf32, #tpu.memory_space<vmem>>
    %dma_wait3A_223 = tpu.memref_squeeze %dma_wait3A_222 : memref<1x336x128xf32, #tpu.memory_space<vmem>> -> memref<336x128xf32, #tpu.memory_space<vmem>>
    tpu.wait_dma2 semaphore(%arg10 : memref<!tpu.dma_semaphore, #tpu.memory_space<semaphore_mem>>) src(%dma_wait3A_223 : memref<336x128xf32, #tpu.memory_space<vmem>>) dst(%dma_wait3A_219 : memref<336x128xf32, #tpu.memory_space<hbm>>)
    return
  }
}

#map = affine_map<(d0, d1) -> (0, 0)>
#map1 = affine_map<(d0, d1) -> (0)>
module attributes {stable_mosaic.version = 14 : i64} {
  func.func @gather_kernel(%arg0: i32, %arg1: i32, %arg2: memref<116736x128xf32, #tpu.memory_space<hbm>>, %arg3: memref<2709504xi32, #tpu.memory_space<hbm>>, %arg4: memref<2709504x128xf32, #tpu.memory_space<hbm>>, %arg5: memref<1344xi32, #tpu.memory_space<vmem>>, %arg6: memref<2x336x128xf32, #tpu.memory_space<vmem>>, %arg7: memref<!tpu.dma_semaphore, #tpu.memory_space<semaphore_mem>>, %arg8: memref<!tpu.dma_semaphore, #tpu.memory_space<semaphore_mem>>, %arg9: memref<!tpu.dma_semaphore, #tpu.memory_space<semaphore_mem>>, %arg10: memref<!tpu.dma_semaphore, #tpu.memory_space<semaphore_mem>>) attributes {dimension_semantics = [#tpu.dimension_semantics<core_parallel>, #tpu.dimension_semantics<subcore_parallel>], iteration_bounds = array<i64: 2, 16>, scalar_prefetch = 0 : i64, scratch_operands = 6 : i64, tpu.core_type = #tpu.core_type<sc_vector_subcore>, window_params = [{transform_indices = #map}, {transform_indices = #map1}, {transform_indices = #map}]} {
    %mul3A = arith.constant 2 : i32
    %mul3A_0 = arith.muli %arg1, %mul3A : i32
    %add3A = arith.addi %mul3A_0, %arg0 : i32
    %mul3A_1 = arith.constant 84672 : i32
    %mul3A_2 = arith.muli %add3A, %mul3A_1 : i32
    %add3A_3 = arith.constant 0 : i32
    %add3A_4 = arith.addi %mul3A_2, %add3A_3 : i32
    "tpu.region"() ({
      %run_scoped3A = tpu.sem_alloc : memref<!tpu.dma_semaphore, #tpu.memory_space<semaphore_mem>>
      %dma_start3A_224 = tpu.memref_slice %arg3[%add3A_4] : memref<2709504xi32, #tpu.memory_space<hbm>> -> memref<1344xi32, #tpu.memory_space<hbm>>
      %dma_start3A_225 = tpu.memref_slice %arg3[%add3A_4] : memref<2709504xi32, #tpu.memory_space<hbm>> -> memref<1344xi32, #tpu.memory_space<hbm>>
      tpu.enqueue_dma source(%dma_start3A_225 : memref<1344xi32, #tpu.memory_space<hbm>>) target(%arg5 : memref<1344xi32, #tpu.memory_space<vmem>>) target_semaphore(%run_scoped3A : memref<!tpu.dma_semaphore, #tpu.memory_space<semaphore_mem>>)
      %dma_wait3A_226 = tpu.memref_slice %arg3[%add3A_4] : memref<2709504xi32, #tpu.memory_space<hbm>> -> memref<1344xi32, #tpu.memory_space<hbm>>
      %dma_wait3A_227 = tpu.memref_slice %arg3[%add3A_4] : memref<2709504xi32, #tpu.memory_space<hbm>> -> memref<1344xi32, #tpu.memory_space<hbm>>
      tpu.wait_dma2 semaphore(%run_scoped3A : memref<!tpu.dma_semaphore, #tpu.memory_space<semaphore_mem>>) src(%dma_wait3A_227 : memref<1344xi32, #tpu.memory_space<hbm>>) dst(%arg5 : memref<1344xi32, #tpu.memory_space<vmem>>)
      tpu.yield
    }) : () -> ()
    %add3A_5 = arith.constant 0 : i32
    %add3A_6 = arith.addi %mul3A_2, %add3A_5 : i32
    %add3A_7 = arith.constant 0 : i32
    %add3A_8 = arith.addi %add3A_6, %add3A_7 : i32
    %dma_start3A = arith.constant 0 : i32
    %dma_start3A_9 = arith.constant 0 : i32
    %dma_start3A_10 = arith.constant 0 : i32
    %dma_start3A_11 = tpu.memref_slice %arg6[%dma_start3A, %dma_start3A_9, %dma_start3A_10] : memref<2x336x128xf32, #tpu.memory_space<vmem>> -> memref<1x336x128xf32, #tpu.memory_space<vmem>>
    %dma_start3A_12 = tpu.memref_squeeze %dma_start3A_11 : memref<1x336x128xf32, #tpu.memory_space<vmem>> -> memref<336x128xf32, #tpu.memory_space<vmem>>
    %dma_start3A_13 = arith.constant 0 : i32
    %dma_start3A_14 = tpu.memref_slice %arg5[%dma_start3A_13] : memref<1344xi32, #tpu.memory_space<vmem>> -> memref<336xi32, #tpu.memory_space<vmem>>
    %dma_start3A_15 = arith.constant 0 : i32
    %dma_start3A_16 = arith.constant 0 : i32
    %dma_start3A_17 = tpu.memref_slice %arg2[%dma_start3A_15, %dma_start3A_16] : memref<116736x128xf32, #tpu.memory_space<hbm>> -> memref<116736x128xf32, #tpu.memory_space<hbm>>
    tpu.enqueue_indirect_dma source(%dma_start3A_17 : memref<116736x128xf32, #tpu.memory_space<hbm>>) target(%dma_start3A_12 : memref<336x128xf32, #tpu.memory_space<vmem>>) offsets(%dma_start3A_14 : memref<336xi32, #tpu.memory_space<vmem>>) semaphore(%arg7 : memref<!tpu.dma_semaphore, #tpu.memory_space<semaphore_mem>>)
    %add3A_18 = arith.constant 0 : i32
    %add3A_19 = arith.addi %mul3A_2, %add3A_18 : i32
    %add3A_20 = arith.constant 336 : i32
    %add3A_21 = arith.addi %add3A_19, %add3A_20 : i32
    %dma_start3A_22 = arith.constant 1 : i32
    %dma_start3A_23 = arith.constant 0 : i32
    %dma_start3A_24 = arith.constant 0 : i32
    %dma_start3A_25 = tpu.memref_slice %arg6[%dma_start3A_22, %dma_start3A_23, %dma_start3A_24] : memref<2x336x128xf32, #tpu.memory_space<vmem>> -> memref<1x336x128xf32, #tpu.memory_space<vmem>>
    %dma_start3A_26 = tpu.memref_squeeze %dma_start3A_25 : memref<1x336x128xf32, #tpu.memory_space<vmem>> -> memref<336x128xf32, #tpu.memory_space<vmem>>
    %dma_start3A_27 = arith.constant 336 : i32
    %dma_start3A_28 = tpu.memref_slice %arg5[%dma_start3A_27] : memref<1344xi32, #tpu.memory_space<vmem>> -> memref<336xi32, #tpu.memory_space<vmem>>
    %dma_start3A_29 = arith.constant 0 : i32
    %dma_start3A_30 = arith.constant 0 : i32
    %dma_start3A_31 = tpu.memref_slice %arg2[%dma_start3A_29, %dma_start3A_30] : memref<116736x128xf32, #tpu.memory_space<hbm>> -> memref<116736x128xf32, #tpu.memory_space<hbm>>
    tpu.enqueue_indirect_dma source(%dma_start3A_31 : memref<116736x128xf32, #tpu.memory_space<hbm>>) target(%dma_start3A_26 : memref<336x128xf32, #tpu.memory_space<vmem>>) offsets(%dma_start3A_28 : memref<336xi32, #tpu.memory_space<vmem>>) semaphore(%arg8 : memref<!tpu.dma_semaphore, #tpu.memory_space<semaphore_mem>>)
    %add3A_32 = arith.constant 0 : i32
    %add3A_33 = arith.addi %mul3A_2, %add3A_32 : i32
    %add3A_34 = arith.constant 0 : i32
    %add3A_35 = arith.addi %add3A_33, %add3A_34 : i32
    %dma_wait3A = arith.constant 0 : i32
    %dma_wait3A_36 = arith.constant 0 : i32
    %dma_wait3A_37 = arith.constant 0 : i32
    %dma_wait3A_38 = tpu.memref_slice %arg6[%dma_wait3A, %dma_wait3A_36, %dma_wait3A_37] : memref<2x336x128xf32, #tpu.memory_space<vmem>> -> memref<1x336x128xf32, #tpu.memory_space<vmem>>
    %dma_wait3A_39 = tpu.memref_squeeze %dma_wait3A_38 : memref<1x336x128xf32, #tpu.memory_space<vmem>> -> memref<336x128xf32, #tpu.memory_space<vmem>>
    %dma_wait3A_40 = arith.constant 0 : i32
    %dma_wait3A_41 = tpu.memref_slice %arg5[%dma_wait3A_40] : memref<1344xi32, #tpu.memory_space<vmem>> -> memref<336xi32, #tpu.memory_space<vmem>>
    %dma_wait3A_42 = arith.constant 0 : i32
    %dma_wait3A_43 = arith.constant 0 : i32
    %dma_wait3A_44 = tpu.memref_slice %arg2[%dma_wait3A_42, %dma_wait3A_43] : memref<116736x128xf32, #tpu.memory_space<hbm>> -> memref<116736x128xf32, #tpu.memory_space<hbm>>
    tpu.wait_indirect_dma semaphore(%arg7 : memref<!tpu.dma_semaphore, #tpu.memory_space<semaphore_mem>>) src(%dma_wait3A_44 : memref<116736x128xf32, #tpu.memory_space<hbm>>) dst(%dma_wait3A_39 : memref<336x128xf32, #tpu.memory_space<vmem>>)
    %dma_start3A_45 = arith.constant 0 : i32
    %dma_start3A_46 = arith.constant 0 : i32
    %dma_start3A_47 = arith.constant 0 : i32
    %dma_start3A_48 = tpu.memref_slice %arg6[%dma_start3A_45, %dma_start3A_46, %dma_start3A_47] : memref<2x336x128xf32, #tpu.memory_space<vmem>> -> memref<1x336x128xf32, #tpu.memory_space<vmem>>
    %dma_start3A_49 = tpu.memref_squeeze %dma_start3A_48 : memref<1x336x128xf32, #tpu.memory_space<vmem>> -> memref<336x128xf32, #tpu.memory_space<vmem>>
    %dma_start3A_50 = arith.constant 0 : i32
    %dma_start3A_51 = tpu.memref_slice %arg4[%add3A_35, %dma_start3A_50] : memref<2709504x128xf32, #tpu.memory_space<hbm>> -> memref<336x128xf32, #tpu.memory_space<hbm>>
    %dma_start3A_52 = arith.constant 0 : i32
    %dma_start3A_53 = tpu.memref_slice %arg4[%add3A_35, %dma_start3A_52] : memref<2709504x128xf32, #tpu.memory_space<hbm>> -> memref<336x128xf32, #tpu.memory_space<hbm>>
    %dma_start3A_54 = arith.constant 0 : i32
    %dma_start3A_55 = arith.constant 0 : i32
    %dma_start3A_56 = tpu.memref_slice %arg6[%dma_start3A_45, %dma_start3A_54, %dma_start3A_55] : memref<2x336x128xf32, #tpu.memory_space<vmem>> -> memref<1x336x128xf32, #tpu.memory_space<vmem>>
    %dma_start3A_57 = tpu.memref_squeeze %dma_start3A_56 : memref<1x336x128xf32, #tpu.memory_space<vmem>> -> memref<336x128xf32, #tpu.memory_space<vmem>>
    tpu.enqueue_dma source(%dma_start3A_57 : memref<336x128xf32, #tpu.memory_space<vmem>>) target(%dma_start3A_53 : memref<336x128xf32, #tpu.memory_space<hbm>>) target_semaphore(%arg9 : memref<!tpu.dma_semaphore, #tpu.memory_space<semaphore_mem>>)
    %add3A_58 = arith.constant 0 : i32
    %add3A_59 = arith.addi %mul3A_2, %add3A_58 : i32
    %add3A_60 = arith.constant 672 : i32
    %add3A_61 = arith.addi %add3A_59, %add3A_60 : i32
    %dma_wait3A_62 = arith.constant 0 : i32
    %dma_wait3A_63 = arith.constant 0 : i32
    %dma_wait3A_64 = arith.constant 0 : i32
    %dma_wait3A_65 = tpu.memref_slice %arg6[%dma_wait3A_62, %dma_wait3A_63, %dma_wait3A_64] : memref<2x336x128xf32, #tpu.memory_space<vmem>> -> memref<1x336x128xf32, #tpu.memory_space<vmem>>
    %dma_wait3A_66 = tpu.memref_squeeze %dma_wait3A_65 : memref<1x336x128xf32, #tpu.memory_space<vmem>> -> memref<336x128xf32, #tpu.memory_space<vmem>>
    %dma_wait3A_67 = arith.constant 0 : i32
    %dma_wait3A_68 = tpu.memref_slice %arg4[%mul3A_2, %dma_wait3A_67] : memref<2709504x128xf32, #tpu.memory_space<hbm>> -> memref<336x128xf32, #tpu.memory_space<hbm>>
    %dma_wait3A_69 = arith.constant 0 : i32
    %dma_wait3A_70 = tpu.memref_slice %arg4[%mul3A_2, %dma_wait3A_69] : memref<2709504x128xf32, #tpu.memory_space<hbm>> -> memref<336x128xf32, #tpu.memory_space<hbm>>
    %dma_wait3A_71 = arith.constant 0 : i32
    %dma_wait3A_72 = arith.constant 0 : i32
    %dma_wait3A_73 = tpu.memref_slice %arg6[%dma_wait3A_62, %dma_wait3A_71, %dma_wait3A_72] : memref<2x336x128xf32, #tpu.memory_space<vmem>> -> memref<1x336x128xf32, #tpu.memory_space<vmem>>
    %dma_wait3A_74 = tpu.memref_squeeze %dma_wait3A_73 : memref<1x336x128xf32, #tpu.memory_space<vmem>> -> memref<336x128xf32, #tpu.memory_space<vmem>>
    tpu.wait_dma2 semaphore(%arg9 : memref<!tpu.dma_semaphore, #tpu.memory_space<semaphore_mem>>) src(%dma_wait3A_74 : memref<336x128xf32, #tpu.memory_space<vmem>>) dst(%dma_wait3A_70 : memref<336x128xf32, #tpu.memory_space<hbm>>)
    %dma_start3A_75 = arith.constant 0 : i32
    %dma_start3A_76 = arith.constant 0 : i32
    %dma_start3A_77 = arith.constant 0 : i32
    %dma_start3A_78 = tpu.memref_slice %arg6[%dma_start3A_75, %dma_start3A_76, %dma_start3A_77] : memref<2x336x128xf32, #tpu.memory_space<vmem>> -> memref<1x336x128xf32, #tpu.memory_space<vmem>>
    %dma_start3A_79 = tpu.memref_squeeze %dma_start3A_78 : memref<1x336x128xf32, #tpu.memory_space<vmem>> -> memref<336x128xf32, #tpu.memory_space<vmem>>
    %dma_start3A_80 = arith.constant 672 : i32
    %dma_start3A_81 = tpu.memref_slice %arg5[%dma_start3A_80] : memref<1344xi32, #tpu.memory_space<vmem>> -> memref<336xi32, #tpu.memory_space<vmem>>
    %dma_start3A_82 = arith.constant 0 : i32
    %dma_start3A_83 = arith.constant 0 : i32
    %dma_start3A_84 = tpu.memref_slice %arg2[%dma_start3A_82, %dma_start3A_83] : memref<116736x128xf32, #tpu.memory_space<hbm>> -> memref<116736x128xf32, #tpu.memory_space<hbm>>
    tpu.enqueue_indirect_dma source(%dma_start3A_84 : memref<116736x128xf32, #tpu.memory_space<hbm>>) target(%dma_start3A_79 : memref<336x128xf32, #tpu.memory_space<vmem>>) offsets(%dma_start3A_81 : memref<336xi32, #tpu.memory_space<vmem>>) semaphore(%arg7 : memref<!tpu.dma_semaphore, #tpu.memory_space<semaphore_mem>>)
    %add3A_85 = arith.constant 0 : i32
    %add3A_86 = arith.addi %mul3A_2, %add3A_85 : i32
    %add3A_87 = arith.constant 336 : i32
    %add3A_88 = arith.addi %add3A_86, %add3A_87 : i32
    %dma_wait3A_89 = arith.constant 1 : i32
    %dma_wait3A_90 = arith.constant 0 : i32
    %dma_wait3A_91 = arith.constant 0 : i32
    %dma_wait3A_92 = tpu.memref_slice %arg6[%dma_wait3A_89, %dma_wait3A_90, %dma_wait3A_91] : memref<2x336x128xf32, #tpu.memory_space<vmem>> -> memref<1x336x128xf32, #tpu.memory_space<vmem>>
    %dma_wait3A_93 = tpu.memref_squeeze %dma_wait3A_92 : memref<1x336x128xf32, #tpu.memory_space<vmem>> -> memref<336x128xf32, #tpu.memory_space<vmem>>
    %dma_wait3A_94 = arith.constant 0 : i32
    %dma_wait3A_95 = tpu.memref_slice %arg5[%dma_wait3A_94] : memref<1344xi32, #tpu.memory_space<vmem>> -> memref<336xi32, #tpu.memory_space<vmem>>
    %dma_wait3A_96 = arith.constant 0 : i32
    %dma_wait3A_97 = arith.constant 0 : i32
    %dma_wait3A_98 = tpu.memref_slice %arg2[%dma_wait3A_96, %dma_wait3A_97] : memref<116736x128xf32, #tpu.memory_space<hbm>> -> memref<116736x128xf32, #tpu.memory_space<hbm>>
    tpu.wait_indirect_dma semaphore(%arg8 : memref<!tpu.dma_semaphore, #tpu.memory_space<semaphore_mem>>) src(%dma_wait3A_98 : memref<116736x128xf32, #tpu.memory_space<hbm>>) dst(%dma_wait3A_93 : memref<336x128xf32, #tpu.memory_space<vmem>>)
    %dma_start3A_99 = arith.constant 1 : i32
    %dma_start3A_100 = arith.constant 0 : i32
    %dma_start3A_101 = arith.constant 0 : i32
    %dma_start3A_102 = tpu.memref_slice %arg6[%dma_start3A_99, %dma_start3A_100, %dma_start3A_101] : memref<2x336x128xf32, #tpu.memory_space<vmem>> -> memref<1x336x128xf32, #tpu.memory_space<vmem>>
    %dma_start3A_103 = tpu.memref_squeeze %dma_start3A_102 : memref<1x336x128xf32, #tpu.memory_space<vmem>> -> memref<336x128xf32, #tpu.memory_space<vmem>>
    %dma_start3A_104 = arith.constant 0 : i32
    %dma_start3A_105 = tpu.memref_slice %arg4[%add3A_88, %dma_start3A_104] : memref<2709504x128xf32, #tpu.memory_space<hbm>> -> memref<336x128xf32, #tpu.memory_space<hbm>>
    %dma_start3A_106 = arith.constant 0 : i32
    %dma_start3A_107 = tpu.memref_slice %arg4[%add3A_88, %dma_start3A_106] : memref<2709504x128xf32, #tpu.memory_space<hbm>> -> memref<336x128xf32, #tpu.memory_space<hbm>>
    %dma_start3A_108 = arith.constant 0 : i32
    %dma_start3A_109 = arith.constant 0 : i32
    %dma_start3A_110 = tpu.memref_slice %arg6[%dma_start3A_99, %dma_start3A_108, %dma_start3A_109] : memref<2x336x128xf32, #tpu.memory_space<vmem>> -> memref<1x336x128xf32, #tpu.memory_space<vmem>>
    %dma_start3A_111 = tpu.memref_squeeze %dma_start3A_110 : memref<1x336x128xf32, #tpu.memory_space<vmem>> -> memref<336x128xf32, #tpu.memory_space<vmem>>
    tpu.enqueue_dma source(%dma_start3A_111 : memref<336x128xf32, #tpu.memory_space<vmem>>) target(%dma_start3A_107 : memref<336x128xf32, #tpu.memory_space<hbm>>) target_semaphore(%arg10 : memref<!tpu.dma_semaphore, #tpu.memory_space<semaphore_mem>>)
    %add3A_112 = arith.constant 0 : i32
    %add3A_113 = arith.addi %mul3A_2, %add3A_112 : i32
    %add3A_114 = arith.constant 1008 : i32
    %add3A_115 = arith.addi %add3A_113, %add3A_114 : i32
    %dma_wait3A_116 = arith.constant 1 : i32
    %dma_wait3A_117 = arith.constant 0 : i32
    %dma_wait3A_118 = arith.constant 0 : i32
    %dma_wait3A_119 = tpu.memref_slice %arg6[%dma_wait3A_116, %dma_wait3A_117, %dma_wait3A_118] : memref<2x336x128xf32, #tpu.memory_space<vmem>> -> memref<1x336x128xf32, #tpu.memory_space<vmem>>
    %dma_wait3A_120 = tpu.memref_squeeze %dma_wait3A_119 : memref<1x336x128xf32, #tpu.memory_space<vmem>> -> memref<336x128xf32, #tpu.memory_space<vmem>>
    %dma_wait3A_121 = arith.constant 0 : i32
    %dma_wait3A_122 = tpu.memref_slice %arg4[%mul3A_2, %dma_wait3A_121] : memref<2709504x128xf32, #tpu.memory_space<hbm>> -> memref<336x128xf32, #tpu.memory_space<hbm>>
    %dma_wait3A_123 = arith.constant 0 : i32
    %dma_wait3A_124 = tpu.memref_slice %arg4[%mul3A_2, %dma_wait3A_123] : memref<2709504x128xf32, #tpu.memory_space<hbm>> -> memref<336x128xf32, #tpu.memory_space<hbm>>
    %dma_wait3A_125 = arith.constant 0 : i32
    %dma_wait3A_126 = arith.constant 0 : i32
    %dma_wait3A_127 = tpu.memref_slice %arg6[%dma_wait3A_116, %dma_wait3A_125, %dma_wait3A_126] : memref<2x336x128xf32, #tpu.memory_space<vmem>> -> memref<1x336x128xf32, #tpu.memory_space<vmem>>
    %dma_wait3A_128 = tpu.memref_squeeze %dma_wait3A_127 : memref<1x336x128xf32, #tpu.memory_space<vmem>> -> memref<336x128xf32, #tpu.memory_space<vmem>>
    tpu.wait_dma2 semaphore(%arg10 : memref<!tpu.dma_semaphore, #tpu.memory_space<semaphore_mem>>) src(%dma_wait3A_128 : memref<336x128xf32, #tpu.memory_space<vmem>>) dst(%dma_wait3A_124 : memref<336x128xf32, #tpu.memory_space<hbm>>)
    %dma_start3A_129 = arith.constant 1 : i32
    %dma_start3A_130 = arith.constant 0 : i32
    %dma_start3A_131 = arith.constant 0 : i32
    %dma_start3A_132 = tpu.memref_slice %arg6[%dma_start3A_129, %dma_start3A_130, %dma_start3A_131] : memref<2x336x128xf32, #tpu.memory_space<vmem>> -> memref<1x336x128xf32, #tpu.memory_space<vmem>>
    %dma_start3A_133 = tpu.memref_squeeze %dma_start3A_132 : memref<1x336x128xf32, #tpu.memory_space<vmem>> -> memref<336x128xf32, #tpu.memory_space<vmem>>
    %dma_start3A_134 = arith.constant 1008 : i32
    %dma_start3A_135 = tpu.memref_slice %arg5[%dma_start3A_134] : memref<1344xi32, #tpu.memory_space<vmem>> -> memref<336xi32, #tpu.memory_space<vmem>>
    %dma_start3A_136 = arith.constant 0 : i32
    %dma_start3A_137 = arith.constant 0 : i32
    %dma_start3A_138 = tpu.memref_slice %arg2[%dma_start3A_136, %dma_start3A_137] : memref<116736x128xf32, #tpu.memory_space<hbm>> -> memref<116736x128xf32, #tpu.memory_space<hbm>>
    tpu.enqueue_indirect_dma source(%dma_start3A_138 : memref<116736x128xf32, #tpu.memory_space<hbm>>) target(%dma_start3A_133 : memref<336x128xf32, #tpu.memory_space<vmem>>) offsets(%dma_start3A_135 : memref<336xi32, #tpu.memory_space<vmem>>) semaphore(%arg8 : memref<!tpu.dma_semaphore, #tpu.memory_space<semaphore_mem>>)
    %add3A_139 = arith.constant 0 : i32
    %add3A_140 = arith.addi %mul3A_2, %add3A_139 : i32
    %add3A_141 = arith.constant 672 : i32
    %add3A_142 = arith.addi %add3A_140, %add3A_141 : i32
    %dma_wait3A_143 = arith.constant 0 : i32
    %dma_wait3A_144 = arith.constant 0 : i32
    %dma_wait3A_145 = arith.constant 0 : i32
    %dma_wait3A_146 = tpu.memref_slice %arg6[%dma_wait3A_143, %dma_wait3A_144, %dma_wait3A_145] : memref<2x336x128xf32, #tpu.memory_space<vmem>> -> memref<1x336x128xf32, #tpu.memory_space<vmem>>
    %dma_wait3A_147 = tpu.memref_squeeze %dma_wait3A_146 : memref<1x336x128xf32, #tpu.memory_space<vmem>> -> memref<336x128xf32, #tpu.memory_space<vmem>>
    %dma_wait3A_148 = arith.constant 0 : i32
    %dma_wait3A_149 = tpu.memref_slice %arg5[%dma_wait3A_148] : memref<1344xi32, #tpu.memory_space<vmem>> -> memref<336xi32, #tpu.memory_space<vmem>>
    %dma_wait3A_150 = arith.constant 0 : i32
    %dma_wait3A_151 = arith.constant 0 : i32
    %dma_wait3A_152 = tpu.memref_slice %arg2[%dma_wait3A_150, %dma_wait3A_151] : memref<116736x128xf32, #tpu.memory_space<hbm>> -> memref<116736x128xf32, #tpu.memory_space<hbm>>
    tpu.wait_indirect_dma semaphore(%arg7 : memref<!tpu.dma_semaphore, #tpu.memory_space<semaphore_mem>>) src(%dma_wait3A_152 : memref<116736x128xf32, #tpu.memory_space<hbm>>) dst(%dma_wait3A_147 : memref<336x128xf32, #tpu.memory_space<vmem>>)
    %dma_start3A_153 = arith.constant 0 : i32
    %dma_start3A_154 = arith.constant 0 : i32
    %dma_start3A_155 = arith.constant 0 : i32
    %dma_start3A_156 = tpu.memref_slice %arg6[%dma_start3A_153, %dma_start3A_154, %dma_start3A_155] : memref<2x336x128xf32, #tpu.memory_space<vmem>> -> memref<1x336x128xf32, #tpu.memory_space<vmem>>
    %dma_start3A_157 = tpu.memref_squeeze %dma_start3A_156 : memref<1x336x128xf32, #tpu.memory_space<vmem>> -> memref<336x128xf32, #tpu.memory_space<vmem>>
    %dma_start3A_158 = arith.constant 0 : i32
    %dma_start3A_159 = tpu.memref_slice %arg4[%add3A_142, %dma_start3A_158] : memref<2709504x128xf32, #tpu.memory_space<hbm>> -> memref<336x128xf32, #tpu.memory_space<hbm>>
    %dma_start3A_160 = arith.constant 0 : i32
    %dma_start3A_161 = tpu.memref_slice %arg4[%add3A_142, %dma_start3A_160] : memref<2709504x128xf32, #tpu.memory_space<hbm>> -> memref<336x128xf32, #tpu.memory_space<hbm>>
    %dma_start3A_162 = arith.constant 0 : i32
    %dma_start3A_163 = arith.constant 0 : i32
    %dma_start3A_164 = tpu.memref_slice %arg6[%dma_start3A_153, %dma_start3A_162, %dma_start3A_163] : memref<2x336x128xf32, #tpu.memory_space<vmem>> -> memref<1x336x128xf32, #tpu.memory_space<vmem>>
    %dma_start3A_165 = tpu.memref_squeeze %dma_start3A_164 : memref<1x336x128xf32, #tpu.memory_space<vmem>> -> memref<336x128xf32, #tpu.memory_space<vmem>>
    tpu.enqueue_dma source(%dma_start3A_165 : memref<336x128xf32, #tpu.memory_space<vmem>>) target(%dma_start3A_161 : memref<336x128xf32, #tpu.memory_space<hbm>>) target_semaphore(%arg9 : memref<!tpu.dma_semaphore, #tpu.memory_space<semaphore_mem>>)
    %dma_wait3A_166 = arith.constant 1 : i32
    %dma_wait3A_167 = arith.constant 0 : i32
    %dma_wait3A_168 = arith.constant 0 : i32
    %dma_wait3A_169 = tpu.memref_slice %arg6[%dma_wait3A_166, %dma_wait3A_167, %dma_wait3A_168] : memref<2x336x128xf32, #tpu.memory_space<vmem>> -> memref<1x336x128xf32, #tpu.memory_space<vmem>>
    %dma_wait3A_170 = tpu.memref_squeeze %dma_wait3A_169 : memref<1x336x128xf32, #tpu.memory_space<vmem>> -> memref<336x128xf32, #tpu.memory_space<vmem>>
    %dma_wait3A_171 = arith.constant 0 : i32
    %dma_wait3A_172 = tpu.memref_slice %arg5[%dma_wait3A_171] : memref<1344xi32, #tpu.memory_space<vmem>> -> memref<336xi32, #tpu.memory_space<vmem>>
    %dma_wait3A_173 = arith.constant 0 : i32
    %dma_wait3A_174 = arith.constant 0 : i32
    %dma_wait3A_175 = tpu.memref_slice %arg2[%dma_wait3A_173, %dma_wait3A_174] : memref<116736x128xf32, #tpu.memory_space<hbm>> -> memref<116736x128xf32, #tpu.memory_space<hbm>>
    tpu.wait_indirect_dma semaphore(%arg8 : memref<!tpu.dma_semaphore, #tpu.memory_space<semaphore_mem>>) src(%dma_wait3A_175 : memref<116736x128xf32, #tpu.memory_space<hbm>>) dst(%dma_wait3A_170 : memref<336x128xf32, #tpu.memory_space<vmem>>)
    %add3A_176 = arith.constant 0 : i32
    %add3A_177 = arith.addi %mul3A_2, %add3A_176 : i32
    %add3A_178 = arith.constant 1008 : i32
    %add3A_179 = arith.addi %add3A_177, %add3A_178 : i32
    %dma_start3A_180 = arith.constant 1 : i32
    %dma_start3A_181 = arith.constant 0 : i32
    %dma_start3A_182 = arith.constant 0 : i32
    %dma_start3A_183 = tpu.memref_slice %arg6[%dma_start3A_180, %dma_start3A_181, %dma_start3A_182] : memref<2x336x128xf32, #tpu.memory_space<vmem>> -> memref<1x336x128xf32, #tpu.memory_space<vmem>>
    %dma_start3A_184 = tpu.memref_squeeze %dma_start3A_183 : memref<1x336x128xf32, #tpu.memory_space<vmem>> -> memref<336x128xf32, #tpu.memory_space<vmem>>
    %dma_start3A_185 = arith.constant 0 : i32
    %dma_start3A_186 = tpu.memref_slice %arg4[%add3A_179, %dma_start3A_185] : memref<2709504x128xf32, #tpu.memory_space<hbm>> -> memref<336x128xf32, #tpu.memory_space<hbm>>
    %dma_start3A_187 = arith.constant 0 : i32
    %dma_start3A_188 = tpu.memref_slice %arg4[%add3A_179, %dma_start3A_187] : memref<2709504x128xf32, #tpu.memory_space<hbm>> -> memref<336x128xf32, #tpu.memory_space<hbm>>
    %dma_start3A_189 = arith.constant 0 : i32
    %dma_start3A_190 = arith.constant 0 : i32
    %dma_start3A_191 = tpu.memref_slice %arg6[%dma_start3A_180, %dma_start3A_189, %dma_start3A_190] : memref<2x336x128xf32, #tpu.memory_space<vmem>> -> memref<1x336x128xf32, #tpu.memory_space<vmem>>
    %dma_start3A_192 = tpu.memref_squeeze %dma_start3A_191 : memref<1x336x128xf32, #tpu.memory_space<vmem>> -> memref<336x128xf32, #tpu.memory_space<vmem>>
    tpu.enqueue_dma source(%dma_start3A_192 : memref<336x128xf32, #tpu.memory_space<vmem>>) target(%dma_start3A_188 : memref<336x128xf32, #tpu.memory_space<hbm>>) target_semaphore(%arg10 : memref<!tpu.dma_semaphore, #tpu.memory_space<semaphore_mem>>)
    %scan3A = arith.constant 0 : i32
    %scan3A_193 = arith.constant 1 : i32
    %scan3A_194 = arith.constant 62 : i32
    %scan3A_195 = arith.addi %scan3A_193, %scan3A_194 : i32
    %scan3A_196 = arith.constant 1 : i32
    scf.for %scan3A_224 = %scan3A_193 to %scan3A_195 step %scan3A_196  : i32 {
      %mul3A_225 = arith.constant 4 : i32
      %mul3A_226 = arith.muli %scan3A_224, %mul3A_225 : i32
      %mul3A_227 = arith.constant 336 : i32
      %mul3A_228 = arith.muli %mul3A_226, %mul3A_227 : i32
      %add3A_229 = arith.addi %mul3A_2, %mul3A_228 : i32
      "tpu.region"() ({
        %run_scoped3A = tpu.sem_alloc : memref<!tpu.dma_semaphore, #tpu.memory_space<semaphore_mem>>
        %dma_start3A_454 = tpu.memref_slice %arg3[%add3A_229] : memref<2709504xi32, #tpu.memory_space<hbm>> -> memref<1344xi32, #tpu.memory_space<hbm>>
        %dma_start3A_455 = tpu.memref_slice %arg3[%add3A_229] : memref<2709504xi32, #tpu.memory_space<hbm>> -> memref<1344xi32, #tpu.memory_space<hbm>>
        tpu.enqueue_dma source(%dma_start3A_455 : memref<1344xi32, #tpu.memory_space<hbm>>) target(%arg5 : memref<1344xi32, #tpu.memory_space<vmem>>) target_semaphore(%run_scoped3A : memref<!tpu.dma_semaphore, #tpu.memory_space<semaphore_mem>>)
        %dma_wait3A_456 = tpu.memref_slice %arg3[%add3A_229] : memref<2709504xi32, #tpu.memory_space<hbm>> -> memref<1344xi32, #tpu.memory_space<hbm>>
        %dma_wait3A_457 = tpu.memref_slice %arg3[%add3A_229] : memref<2709504xi32, #tpu.memory_space<hbm>> -> memref<1344xi32, #tpu.memory_space<hbm>>
        tpu.wait_dma2 semaphore(%run_scoped3A : memref<!tpu.dma_semaphore, #tpu.memory_space<semaphore_mem>>) src(%dma_wait3A_457 : memref<1344xi32, #tpu.memory_space<hbm>>) dst(%arg5 : memref<1344xi32, #tpu.memory_space<vmem>>)
        tpu.yield
      }) : () -> ()
      %mul3A_230 = arith.constant 1344 : i32
      %mul3A_231 = arith.muli %scan3A_224, %mul3A_230 : i32
      %add3A_232 = arith.addi %mul3A_2, %mul3A_231 : i32
      %add3A_233 = arith.constant 0 : i32
      %add3A_234 = arith.addi %add3A_232, %add3A_233 : i32
      %dma_wait3A_235 = arith.constant 0 : i32
      %dma_wait3A_236 = arith.constant 0 : i32
      %dma_wait3A_237 = arith.constant 0 : i32
      %dma_wait3A_238 = tpu.memref_slice %arg6[%dma_wait3A_235, %dma_wait3A_236, %dma_wait3A_237] : memref<2x336x128xf32, #tpu.memory_space<vmem>> -> memref<1x336x128xf32, #tpu.memory_space<vmem>>
      %dma_wait3A_239 = tpu.memref_squeeze %dma_wait3A_238 : memref<1x336x128xf32, #tpu.memory_space<vmem>> -> memref<336x128xf32, #tpu.memory_space<vmem>>
      %dma_wait3A_240 = arith.constant 0 : i32
      %dma_wait3A_241 = tpu.memref_slice %arg4[%mul3A_2, %dma_wait3A_240] : memref<2709504x128xf32, #tpu.memory_space<hbm>> -> memref<336x128xf32, #tpu.memory_space<hbm>>
      %dma_wait3A_242 = arith.constant 0 : i32
      %dma_wait3A_243 = tpu.memref_slice %arg4[%mul3A_2, %dma_wait3A_242] : memref<2709504x128xf32, #tpu.memory_space<hbm>> -> memref<336x128xf32, #tpu.memory_space<hbm>>
      %dma_wait3A_244 = arith.constant 0 : i32
      %dma_wait3A_245 = arith.constant 0 : i32
      %dma_wait3A_246 = tpu.memref_slice %arg6[%dma_wait3A_235, %dma_wait3A_244, %dma_wait3A_245] : memref<2x336x128xf32, #tpu.memory_space<vmem>> -> memref<1x336x128xf32, #tpu.memory_space<vmem>>
      %dma_wait3A_247 = tpu.memref_squeeze %dma_wait3A_246 : memref<1x336x128xf32, #tpu.memory_space<vmem>> -> memref<336x128xf32, #tpu.memory_space<vmem>>
      tpu.wait_dma2 semaphore(%arg9 : memref<!tpu.dma_semaphore, #tpu.memory_space<semaphore_mem>>) src(%dma_wait3A_247 : memref<336x128xf32, #tpu.memory_space<vmem>>) dst(%dma_wait3A_243 : memref<336x128xf32, #tpu.memory_space<hbm>>)
      %dma_start3A_248 = arith.constant 0 : i32
      %dma_start3A_249 = arith.constant 0 : i32
      %dma_start3A_250 = arith.constant 0 : i32
      %dma_start3A_251 = tpu.memref_slice %arg6[%dma_start3A_248, %dma_start3A_249, %dma_start3A_250] : memref<2x336x128xf32, #tpu.memory_space<vmem>> -> memref<1x336x128xf32, #tpu.memory_space<vmem>>
      %dma_start3A_252 = tpu.memref_squeeze %dma_start3A_251 : memref<1x336x128xf32, #tpu.memory_space<vmem>> -> memref<336x128xf32, #tpu.memory_space<vmem>>
      %dma_start3A_253 = arith.constant 0 : i32
      %dma_start3A_254 = tpu.memref_slice %arg5[%dma_start3A_253] : memref<1344xi32, #tpu.memory_space<vmem>> -> memref<336xi32, #tpu.memory_space<vmem>>
      %dma_start3A_255 = arith.constant 0 : i32
      %dma_start3A_256 = arith.constant 0 : i32
      %dma_start3A_257 = tpu.memref_slice %arg2[%dma_start3A_255, %dma_start3A_256] : memref<116736x128xf32, #tpu.memory_space<hbm>> -> memref<116736x128xf32, #tpu.memory_space<hbm>>
      tpu.enqueue_indirect_dma source(%dma_start3A_257 : memref<116736x128xf32, #tpu.memory_space<hbm>>) target(%dma_start3A_252 : memref<336x128xf32, #tpu.memory_space<vmem>>) offsets(%dma_start3A_254 : memref<336xi32, #tpu.memory_space<vmem>>) semaphore(%arg7 : memref<!tpu.dma_semaphore, #tpu.memory_space<semaphore_mem>>)
      %mul3A_258 = arith.constant 1344 : i32
      %mul3A_259 = arith.muli %scan3A_224, %mul3A_258 : i32
      %add3A_260 = arith.addi %mul3A_2, %mul3A_259 : i32
      %add3A_261 = arith.constant 336 : i32
      %add3A_262 = arith.addi %add3A_260, %add3A_261 : i32
      %dma_wait3A_263 = arith.constant 1 : i32
      %dma_wait3A_264 = arith.constant 0 : i32
      %dma_wait3A_265 = arith.constant 0 : i32
      %dma_wait3A_266 = tpu.memref_slice %arg6[%dma_wait3A_263, %dma_wait3A_264, %dma_wait3A_265] : memref<2x336x128xf32, #tpu.memory_space<vmem>> -> memref<1x336x128xf32, #tpu.memory_space<vmem>>
      %dma_wait3A_267 = tpu.memref_squeeze %dma_wait3A_266 : memref<1x336x128xf32, #tpu.memory_space<vmem>> -> memref<336x128xf32, #tpu.memory_space<vmem>>
      %dma_wait3A_268 = arith.constant 0 : i32
      %dma_wait3A_269 = tpu.memref_slice %arg4[%mul3A_2, %dma_wait3A_268] : memref<2709504x128xf32, #tpu.memory_space<hbm>> -> memref<336x128xf32, #tpu.memory_space<hbm>>
      %dma_wait3A_270 = arith.constant 0 : i32
      %dma_wait3A_271 = tpu.memref_slice %arg4[%mul3A_2, %dma_wait3A_270] : memref<2709504x128xf32, #tpu.memory_space<hbm>> -> memref<336x128xf32, #tpu.memory_space<hbm>>
      %dma_wait3A_272 = arith.constant 0 : i32
      %dma_wait3A_273 = arith.constant 0 : i32
      %dma_wait3A_274 = tpu.memref_slice %arg6[%dma_wait3A_263, %dma_wait3A_272, %dma_wait3A_273] : memref<2x336x128xf32, #tpu.memory_space<vmem>> -> memref<1x336x128xf32, #tpu.memory_space<vmem>>
      %dma_wait3A_275 = tpu.memref_squeeze %dma_wait3A_274 : memref<1x336x128xf32, #tpu.memory_space<vmem>> -> memref<336x128xf32, #tpu.memory_space<vmem>>
      tpu.wait_dma2 semaphore(%arg10 : memref<!tpu.dma_semaphore, #tpu.memory_space<semaphore_mem>>) src(%dma_wait3A_275 : memref<336x128xf32, #tpu.memory_space<vmem>>) dst(%dma_wait3A_271 : memref<336x128xf32, #tpu.memory_space<hbm>>)
      %dma_start3A_276 = arith.constant 1 : i32
      %dma_start3A_277 = arith.constant 0 : i32
      %dma_start3A_278 = arith.constant 0 : i32
      %dma_start3A_279 = tpu.memref_slice %arg6[%dma_start3A_276, %dma_start3A_277, %dma_start3A_278] : memref<2x336x128xf32, #tpu.memory_space<vmem>> -> memref<1x336x128xf32, #tpu.memory_space<vmem>>
      %dma_start3A_280 = tpu.memref_squeeze %dma_start3A_279 : memref<1x336x128xf32, #tpu.memory_space<vmem>> -> memref<336x128xf32, #tpu.memory_space<vmem>>
      %dma_start3A_281 = arith.constant 336 : i32
      %dma_start3A_282 = tpu.memref_slice %arg5[%dma_start3A_281] : memref<1344xi32, #tpu.memory_space<vmem>> -> memref<336xi32, #tpu.memory_space<vmem>>
      %dma_start3A_283 = arith.constant 0 : i32
      %dma_start3A_284 = arith.constant 0 : i32
      %dma_start3A_285 = tpu.memref_slice %arg2[%dma_start3A_283, %dma_start3A_284] : memref<116736x128xf32, #tpu.memory_space<hbm>> -> memref<116736x128xf32, #tpu.memory_space<hbm>>
      tpu.enqueue_indirect_dma source(%dma_start3A_285 : memref<116736x128xf32, #tpu.memory_space<hbm>>) target(%dma_start3A_280 : memref<336x128xf32, #tpu.memory_space<vmem>>) offsets(%dma_start3A_282 : memref<336xi32, #tpu.memory_space<vmem>>) semaphore(%arg8 : memref<!tpu.dma_semaphore, #tpu.memory_space<semaphore_mem>>)
      %mul3A_286 = arith.constant 1344 : i32
      %mul3A_287 = arith.muli %scan3A_224, %mul3A_286 : i32
      %add3A_288 = arith.addi %mul3A_2, %mul3A_287 : i32
      %add3A_289 = arith.constant 0 : i32
      %add3A_290 = arith.addi %add3A_288, %add3A_289 : i32
      %dma_wait3A_291 = arith.constant 0 : i32
      %dma_wait3A_292 = arith.constant 0 : i32
      %dma_wait3A_293 = arith.constant 0 : i32
      %dma_wait3A_294 = tpu.memref_slice %arg6[%dma_wait3A_291, %dma_wait3A_292, %dma_wait3A_293] : memref<2x336x128xf32, #tpu.memory_space<vmem>> -> memref<1x336x128xf32, #tpu.memory_space<vmem>>
      %dma_wait3A_295 = tpu.memref_squeeze %dma_wait3A_294 : memref<1x336x128xf32, #tpu.memory_space<vmem>> -> memref<336x128xf32, #tpu.memory_space<vmem>>
      %dma_wait3A_296 = arith.constant 0 : i32
      %dma_wait3A_297 = tpu.memref_slice %arg5[%dma_wait3A_296] : memref<1344xi32, #tpu.memory_space<vmem>> -> memref<336xi32, #tpu.memory_space<vmem>>
      %dma_wait3A_298 = arith.constant 0 : i32
      %dma_wait3A_299 = arith.constant 0 : i32
      %dma_wait3A_300 = tpu.memref_slice %arg2[%dma_wait3A_298, %dma_wait3A_299] : memref<116736x128xf32, #tpu.memory_space<hbm>> -> memref<116736x128xf32, #tpu.memory_space<hbm>>
      tpu.wait_indirect_dma semaphore(%arg7 : memref<!tpu.dma_semaphore, #tpu.memory_space<semaphore_mem>>) src(%dma_wait3A_300 : memref<116736x128xf32, #tpu.memory_space<hbm>>) dst(%dma_wait3A_295 : memref<336x128xf32, #tpu.memory_space<vmem>>)
      %dma_start3A_301 = arith.constant 0 : i32
      %dma_start3A_302 = arith.constant 0 : i32
      %dma_start3A_303 = arith.constant 0 : i32
      %dma_start3A_304 = tpu.memref_slice %arg6[%dma_start3A_301, %dma_start3A_302, %dma_start3A_303] : memref<2x336x128xf32, #tpu.memory_space<vmem>> -> memref<1x336x128xf32, #tpu.memory_space<vmem>>
      %dma_start3A_305 = tpu.memref_squeeze %dma_start3A_304 : memref<1x336x128xf32, #tpu.memory_space<vmem>> -> memref<336x128xf32, #tpu.memory_space<vmem>>
      %dma_start3A_306 = arith.constant 0 : i32
      %dma_start3A_307 = tpu.memref_slice %arg4[%add3A_290, %dma_start3A_306] : memref<2709504x128xf32, #tpu.memory_space<hbm>> -> memref<336x128xf32, #tpu.memory_space<hbm>>
      %dma_start3A_308 = arith.constant 0 : i32
      %dma_start3A_309 = tpu.memref_slice %arg4[%add3A_290, %dma_start3A_308] : memref<2709504x128xf32, #tpu.memory_space<hbm>> -> memref<336x128xf32, #tpu.memory_space<hbm>>
      %dma_start3A_310 = arith.constant 0 : i32
      %dma_start3A_311 = arith.constant 0 : i32
      %dma_start3A_312 = tpu.memref_slice %arg6[%dma_start3A_301, %dma_start3A_310, %dma_start3A_311] : memref<2x336x128xf32, #tpu.memory_space<vmem>> -> memref<1x336x128xf32, #tpu.memory_space<vmem>>
      %dma_start3A_313 = tpu.memref_squeeze %dma_start3A_312 : memref<1x336x128xf32, #tpu.memory_space<vmem>> -> memref<336x128xf32, #tpu.memory_space<vmem>>
      tpu.enqueue_dma source(%dma_start3A_313 : memref<336x128xf32, #tpu.memory_space<vmem>>) target(%dma_start3A_309 : memref<336x128xf32, #tpu.memory_space<hbm>>) target_semaphore(%arg9 : memref<!tpu.dma_semaphore, #tpu.memory_space<semaphore_mem>>)
      %mul3A_314 = arith.constant 1344 : i32
      %mul3A_315 = arith.muli %scan3A_224, %mul3A_314 : i32
      %add3A_316 = arith.addi %mul3A_2, %mul3A_315 : i32
      %add3A_317 = arith.constant 672 : i32
      %add3A_318 = arith.addi %add3A_316, %add3A_317 : i32
      %dma_wait3A_319 = arith.constant 0 : i32
      %dma_wait3A_320 = arith.constant 0 : i32
      %dma_wait3A_321 = arith.constant 0 : i32
      %dma_wait3A_322 = tpu.memref_slice %arg6[%dma_wait3A_319, %dma_wait3A_320, %dma_wait3A_321] : memref<2x336x128xf32, #tpu.memory_space<vmem>> -> memref<1x336x128xf32, #tpu.memory_space<vmem>>
      %dma_wait3A_323 = tpu.memref_squeeze %dma_wait3A_322 : memref<1x336x128xf32, #tpu.memory_space<vmem>> -> memref<336x128xf32, #tpu.memory_space<vmem>>
      %dma_wait3A_324 = arith.constant 0 : i32
      %dma_wait3A_325 = tpu.memref_slice %arg4[%mul3A_2, %dma_wait3A_324] : memref<2709504x128xf32, #tpu.memory_space<hbm>> -> memref<336x128xf32, #tpu.memory_space<hbm>>
      %dma_wait3A_326 = arith.constant 0 : i32
      %dma_wait3A_327 = tpu.memref_slice %arg4[%mul3A_2, %dma_wait3A_326] : memref<2709504x128xf32, #tpu.memory_space<hbm>> -> memref<336x128xf32, #tpu.memory_space<hbm>>
      %dma_wait3A_328 = arith.constant 0 : i32
      %dma_wait3A_329 = arith.constant 0 : i32
      %dma_wait3A_330 = tpu.memref_slice %arg6[%dma_wait3A_319, %dma_wait3A_328, %dma_wait3A_329] : memref<2x336x128xf32, #tpu.memory_space<vmem>> -> memref<1x336x128xf32, #tpu.memory_space<vmem>>
      %dma_wait3A_331 = tpu.memref_squeeze %dma_wait3A_330 : memref<1x336x128xf32, #tpu.memory_space<vmem>> -> memref<336x128xf32, #tpu.memory_space<vmem>>
      tpu.wait_dma2 semaphore(%arg9 : memref<!tpu.dma_semaphore, #tpu.memory_space<semaphore_mem>>) src(%dma_wait3A_331 : memref<336x128xf32, #tpu.memory_space<vmem>>) dst(%dma_wait3A_327 : memref<336x128xf32, #tpu.memory_space<hbm>>)
      %dma_start3A_332 = arith.constant 0 : i32
      %dma_start3A_333 = arith.constant 0 : i32
      %dma_start3A_334 = arith.constant 0 : i32
      %dma_start3A_335 = tpu.memref_slice %arg6[%dma_start3A_332, %dma_start3A_333, %dma_start3A_334] : memref<2x336x128xf32, #tpu.memory_space<vmem>> -> memref<1x336x128xf32, #tpu.memory_space<vmem>>
      %dma_start3A_336 = tpu.memref_squeeze %dma_start3A_335 : memref<1x336x128xf32, #tpu.memory_space<vmem>> -> memref<336x128xf32, #tpu.memory_space<vmem>>
      %dma_start3A_337 = arith.constant 672 : i32
      %dma_start3A_338 = tpu.memref_slice %arg5[%dma_start3A_337] : memref<1344xi32, #tpu.memory_space<vmem>> -> memref<336xi32, #tpu.memory_space<vmem>>
      %dma_start3A_339 = arith.constant 0 : i32
      %dma_start3A_340 = arith.constant 0 : i32
      %dma_start3A_341 = tpu.memref_slice %arg2[%dma_start3A_339, %dma_start3A_340] : memref<116736x128xf32, #tpu.memory_space<hbm>> -> memref<116736x128xf32, #tpu.memory_space<hbm>>
      tpu.enqueue_indirect_dma source(%dma_start3A_341 : memref<116736x128xf32, #tpu.memory_space<hbm>>) target(%dma_start3A_336 : memref<336x128xf32, #tpu.memory_space<vmem>>) offsets(%dma_start3A_338 : memref<336xi32, #tpu.memory_space<vmem>>) semaphore(%arg7 : memref<!tpu.dma_semaphore, #tpu.memory_space<semaphore_mem>>)
      %mul3A_342 = arith.constant 1344 : i32
      %mul3A_343 = arith.muli %scan3A_224, %mul3A_342 : i32
      %add3A_344 = arith.addi %mul3A_2, %mul3A_343 : i32
      %add3A_345 = arith.constant 336 : i32
      %add3A_346 = arith.addi %add3A_344, %add3A_345 : i32
      %dma_wait3A_347 = arith.constant 1 : i32
      %dma_wait3A_348 = arith.constant 0 : i32
      %dma_wait3A_349 = arith.constant 0 : i32
      %dma_wait3A_350 = tpu.memref_slice %arg6[%dma_wait3A_347, %dma_wait3A_348, %dma_wait3A_349] : memref<2x336x128xf32, #tpu.memory_space<vmem>> -> memref<1x336x128xf32, #tpu.memory_space<vmem>>
      %dma_wait3A_351 = tpu.memref_squeeze %dma_wait3A_350 : memref<1x336x128xf32, #tpu.memory_space<vmem>> -> memref<336x128xf32, #tpu.memory_space<vmem>>
      %dma_wait3A_352 = arith.constant 0 : i32
      %dma_wait3A_353 = tpu.memref_slice %arg5[%dma_wait3A_352] : memref<1344xi32, #tpu.memory_space<vmem>> -> memref<336xi32, #tpu.memory_space<vmem>>
      %dma_wait3A_354 = arith.constant 0 : i32
      %dma_wait3A_355 = arith.constant 0 : i32
      %dma_wait3A_356 = tpu.memref_slice %arg2[%dma_wait3A_354, %dma_wait3A_355] : memref<116736x128xf32, #tpu.memory_space<hbm>> -> memref<116736x128xf32, #tpu.memory_space<hbm>>
      tpu.wait_indirect_dma semaphore(%arg8 : memref<!tpu.dma_semaphore, #tpu.memory_space<semaphore_mem>>) src(%dma_wait3A_356 : memref<116736x128xf32, #tpu.memory_space<hbm>>) dst(%dma_wait3A_351 : memref<336x128xf32, #tpu.memory_space<vmem>>)
      %dma_start3A_357 = arith.constant 1 : i32
      %dma_start3A_358 = arith.constant 0 : i32
      %dma_start3A_359 = arith.constant 0 : i32
      %dma_start3A_360 = tpu.memref_slice %arg6[%dma_start3A_357, %dma_start3A_358, %dma_start3A_359] : memref<2x336x128xf32, #tpu.memory_space<vmem>> -> memref<1x336x128xf32, #tpu.memory_space<vmem>>
      %dma_start3A_361 = tpu.memref_squeeze %dma_start3A_360 : memref<1x336x128xf32, #tpu.memory_space<vmem>> -> memref<336x128xf32, #tpu.memory_space<vmem>>
      %dma_start3A_362 = arith.constant 0 : i32
      %dma_start3A_363 = tpu.memref_slice %arg4[%add3A_346, %dma_start3A_362] : memref<2709504x128xf32, #tpu.memory_space<hbm>> -> memref<336x128xf32, #tpu.memory_space<hbm>>
      %dma_start3A_364 = arith.constant 0 : i32
      %dma_start3A_365 = tpu.memref_slice %arg4[%add3A_346, %dma_start3A_364] : memref<2709504x128xf32, #tpu.memory_space<hbm>> -> memref<336x128xf32, #tpu.memory_space<hbm>>
      %dma_start3A_366 = arith.constant 0 : i32
      %dma_start3A_367 = arith.constant 0 : i32
      %dma_start3A_368 = tpu.memref_slice %arg6[%dma_start3A_357, %dma_start3A_366, %dma_start3A_367] : memref<2x336x128xf32, #tpu.memory_space<vmem>> -> memref<1x336x128xf32, #tpu.memory_space<vmem>>
      %dma_start3A_369 = tpu.memref_squeeze %dma_start3A_368 : memref<1x336x128xf32, #tpu.memory_space<vmem>> -> memref<336x128xf32, #tpu.memory_space<vmem>>
      tpu.enqueue_dma source(%dma_start3A_369 : memref<336x128xf32, #tpu.memory_space<vmem>>) target(%dma_start3A_365 : memref<336x128xf32, #tpu.memory_space<hbm>>) target_semaphore(%arg10 : memref<!tpu.dma_semaphore, #tpu.memory_space<semaphore_mem>>)
      %mul3A_370 = arith.constant 1344 : i32
      %mul3A_371 = arith.muli %scan3A_224, %mul3A_370 : i32
      %add3A_372 = arith.addi %mul3A_2, %mul3A_371 : i32
      %add3A_373 = arith.constant 1008 : i32
      %add3A_374 = arith.addi %add3A_372, %add3A_373 : i32
      %dma_wait3A_375 = arith.constant 1 : i32
      %dma_wait3A_376 = arith.constant 0 : i32
      %dma_wait3A_377 = arith.constant 0 : i32
      %dma_wait3A_378 = tpu.memref_slice %arg6[%dma_wait3A_375, %dma_wait3A_376, %dma_wait3A_377] : memref<2x336x128xf32, #tpu.memory_space<vmem>> -> memref<1x336x128xf32, #tpu.memory_space<vmem>>
      %dma_wait3A_379 = tpu.memref_squeeze %dma_wait3A_378 : memref<1x336x128xf32, #tpu.memory_space<vmem>> -> memref<336x128xf32, #tpu.memory_space<vmem>>
      %dma_wait3A_380 = arith.constant 0 : i32
      %dma_wait3A_381 = tpu.memref_slice %arg4[%mul3A_2, %dma_wait3A_380] : memref<2709504x128xf32, #tpu.memory_space<hbm>> -> memref<336x128xf32, #tpu.memory_space<hbm>>
      %dma_wait3A_382 = arith.constant 0 : i32
      %dma_wait3A_383 = tpu.memref_slice %arg4[%mul3A_2, %dma_wait3A_382] : memref<2709504x128xf32, #tpu.memory_space<hbm>> -> memref<336x128xf32, #tpu.memory_space<hbm>>
      %dma_wait3A_384 = arith.constant 0 : i32
      %dma_wait3A_385 = arith.constant 0 : i32
      %dma_wait3A_386 = tpu.memref_slice %arg6[%dma_wait3A_375, %dma_wait3A_384, %dma_wait3A_385] : memref<2x336x128xf32, #tpu.memory_space<vmem>> -> memref<1x336x128xf32, #tpu.memory_space<vmem>>
      %dma_wait3A_387 = tpu.memref_squeeze %dma_wait3A_386 : memref<1x336x128xf32, #tpu.memory_space<vmem>> -> memref<336x128xf32, #tpu.memory_space<vmem>>
      tpu.wait_dma2 semaphore(%arg10 : memref<!tpu.dma_semaphore, #tpu.memory_space<semaphore_mem>>) src(%dma_wait3A_387 : memref<336x128xf32, #tpu.memory_space<vmem>>) dst(%dma_wait3A_383 : memref<336x128xf32, #tpu.memory_space<hbm>>)
      %dma_start3A_388 = arith.constant 1 : i32
      %dma_start3A_389 = arith.constant 0 : i32
      %dma_start3A_390 = arith.constant 0 : i32
      %dma_start3A_391 = tpu.memref_slice %arg6[%dma_start3A_388, %dma_start3A_389, %dma_start3A_390] : memref<2x336x128xf32, #tpu.memory_space<vmem>> -> memref<1x336x128xf32, #tpu.memory_space<vmem>>
      %dma_start3A_392 = tpu.memref_squeeze %dma_start3A_391 : memref<1x336x128xf32, #tpu.memory_space<vmem>> -> memref<336x128xf32, #tpu.memory_space<vmem>>
      %dma_start3A_393 = arith.constant 1008 : i32
      %dma_start3A_394 = tpu.memref_slice %arg5[%dma_start3A_393] : memref<1344xi32, #tpu.memory_space<vmem>> -> memref<336xi32, #tpu.memory_space<vmem>>
      %dma_start3A_395 = arith.constant 0 : i32
      %dma_start3A_396 = arith.constant 0 : i32
      %dma_start3A_397 = tpu.memref_slice %arg2[%dma_start3A_395, %dma_start3A_396] : memref<116736x128xf32, #tpu.memory_space<hbm>> -> memref<116736x128xf32, #tpu.memory_space<hbm>>
      tpu.enqueue_indirect_dma source(%dma_start3A_397 : memref<116736x128xf32, #tpu.memory_space<hbm>>) target(%dma_start3A_392 : memref<336x128xf32, #tpu.memory_space<vmem>>) offsets(%dma_start3A_394 : memref<336xi32, #tpu.memory_space<vmem>>) semaphore(%arg8 : memref<!tpu.dma_semaphore, #tpu.memory_space<semaphore_mem>>)
      %mul3A_398 = arith.constant 1344 : i32
      %mul3A_399 = arith.muli %scan3A_224, %mul3A_398 : i32
      %add3A_400 = arith.addi %mul3A_2, %mul3A_399 : i32
      %add3A_401 = arith.constant 672 : i32
      %add3A_402 = arith.addi %add3A_400, %add3A_401 : i32
      %dma_wait3A_403 = arith.constant 0 : i32
      %dma_wait3A_404 = arith.constant 0 : i32
      %dma_wait3A_405 = arith.constant 0 : i32
      %dma_wait3A_406 = tpu.memref_slice %arg6[%dma_wait3A_403, %dma_wait3A_404, %dma_wait3A_405] : memref<2x336x128xf32, #tpu.memory_space<vmem>> -> memref<1x336x128xf32, #tpu.memory_space<vmem>>
      %dma_wait3A_407 = tpu.memref_squeeze %dma_wait3A_406 : memref<1x336x128xf32, #tpu.memory_space<vmem>> -> memref<336x128xf32, #tpu.memory_space<vmem>>
      %dma_wait3A_408 = arith.constant 0 : i32
      %dma_wait3A_409 = tpu.memref_slice %arg5[%dma_wait3A_408] : memref<1344xi32, #tpu.memory_space<vmem>> -> memref<336xi32, #tpu.memory_space<vmem>>
      %dma_wait3A_410 = arith.constant 0 : i32
      %dma_wait3A_411 = arith.constant 0 : i32
      %dma_wait3A_412 = tpu.memref_slice %arg2[%dma_wait3A_410, %dma_wait3A_411] : memref<116736x128xf32, #tpu.memory_space<hbm>> -> memref<116736x128xf32, #tpu.memory_space<hbm>>
      tpu.wait_indirect_dma semaphore(%arg7 : memref<!tpu.dma_semaphore, #tpu.memory_space<semaphore_mem>>) src(%dma_wait3A_412 : memref<116736x128xf32, #tpu.memory_space<hbm>>) dst(%dma_wait3A_407 : memref<336x128xf32, #tpu.memory_space<vmem>>)
      %dma_start3A_413 = arith.constant 0 : i32
      %dma_start3A_414 = arith.constant 0 : i32
      %dma_start3A_415 = arith.constant 0 : i32
      %dma_start3A_416 = tpu.memref_slice %arg6[%dma_start3A_413, %dma_start3A_414, %dma_start3A_415] : memref<2x336x128xf32, #tpu.memory_space<vmem>> -> memref<1x336x128xf32, #tpu.memory_space<vmem>>
      %dma_start3A_417 = tpu.memref_squeeze %dma_start3A_416 : memref<1x336x128xf32, #tpu.memory_space<vmem>> -> memref<336x128xf32, #tpu.memory_space<vmem>>
      %dma_start3A_418 = arith.constant 0 : i32
      %dma_start3A_419 = tpu.memref_slice %arg4[%add3A_402, %dma_start3A_418] : memref<2709504x128xf32, #tpu.memory_space<hbm>> -> memref<336x128xf32, #tpu.memory_space<hbm>>
      %dma_start3A_420 = arith.constant 0 : i32
      %dma_start3A_421 = tpu.memref_slice %arg4[%add3A_402, %dma_start3A_420] : memref<2709504x128xf32, #tpu.memory_space<hbm>> -> memref<336x128xf32, #tpu.memory_space<hbm>>
      %dma_start3A_422 = arith.constant 0 : i32
      %dma_start3A_423 = arith.constant 0 : i32
      %dma_start3A_424 = tpu.memref_slice %arg6[%dma_start3A_413, %dma_start3A_422, %dma_start3A_423] : memref<2x336x128xf32, #tpu.memory_space<vmem>> -> memref<1x336x128xf32, #tpu.memory_space<vmem>>
      %dma_start3A_425 = tpu.memref_squeeze %dma_start3A_424 : memref<1x336x128xf32, #tpu.memory_space<vmem>> -> memref<336x128xf32, #tpu.memory_space<vmem>>
      tpu.enqueue_dma source(%dma_start3A_425 : memref<336x128xf32, #tpu.memory_space<vmem>>) target(%dma_start3A_421 : memref<336x128xf32, #tpu.memory_space<hbm>>) target_semaphore(%arg9 : memref<!tpu.dma_semaphore, #tpu.memory_space<semaphore_mem>>)
      %dma_wait3A_426 = arith.constant 1 : i32
      %dma_wait3A_427 = arith.constant 0 : i32
      %dma_wait3A_428 = arith.constant 0 : i32
      %dma_wait3A_429 = tpu.memref_slice %arg6[%dma_wait3A_426, %dma_wait3A_427, %dma_wait3A_428] : memref<2x336x128xf32, #tpu.memory_space<vmem>> -> memref<1x336x128xf32, #tpu.memory_space<vmem>>
      %dma_wait3A_430 = tpu.memref_squeeze %dma_wait3A_429 : memref<1x336x128xf32, #tpu.memory_space<vmem>> -> memref<336x128xf32, #tpu.memory_space<vmem>>
      %dma_wait3A_431 = arith.constant 0 : i32
      %dma_wait3A_432 = tpu.memref_slice %arg5[%dma_wait3A_431] : memref<1344xi32, #tpu.memory_space<vmem>> -> memref<336xi32, #tpu.memory_space<vmem>>
      %dma_wait3A_433 = arith.constant 0 : i32
      %dma_wait3A_434 = arith.constant 0 : i32
      %dma_wait3A_435 = tpu.memref_slice %arg2[%dma_wait3A_433, %dma_wait3A_434] : memref<116736x128xf32, #tpu.memory_space<hbm>> -> memref<116736x128xf32, #tpu.memory_space<hbm>>
      tpu.wait_indirect_dma semaphore(%arg8 : memref<!tpu.dma_semaphore, #tpu.memory_space<semaphore_mem>>) src(%dma_wait3A_435 : memref<116736x128xf32, #tpu.memory_space<hbm>>) dst(%dma_wait3A_430 : memref<336x128xf32, #tpu.memory_space<vmem>>)
      %mul3A_436 = arith.constant 1344 : i32
      %mul3A_437 = arith.muli %scan3A_224, %mul3A_436 : i32
      %add3A_438 = arith.addi %mul3A_2, %mul3A_437 : i32
      %add3A_439 = arith.constant 1008 : i32
      %add3A_440 = arith.addi %add3A_438, %add3A_439 : i32
      %dma_start3A_441 = arith.constant 1 : i32
      %dma_start3A_442 = arith.constant 0 : i32
      %dma_start3A_443 = arith.constant 0 : i32
      %dma_start3A_444 = tpu.memref_slice %arg6[%dma_start3A_441, %dma_start3A_442, %dma_start3A_443] : memref<2x336x128xf32, #tpu.memory_space<vmem>> -> memref<1x336x128xf32, #tpu.memory_space<vmem>>
      %dma_start3A_445 = tpu.memref_squeeze %dma_start3A_444 : memref<1x336x128xf32, #tpu.memory_space<vmem>> -> memref<336x128xf32, #tpu.memory_space<vmem>>
      %dma_start3A_446 = arith.constant 0 : i32
      %dma_start3A_447 = tpu.memref_slice %arg4[%add3A_440, %dma_start3A_446] : memref<2709504x128xf32, #tpu.memory_space<hbm>> -> memref<336x128xf32, #tpu.memory_space<hbm>>
      %dma_start3A_448 = arith.constant 0 : i32
      %dma_start3A_449 = tpu.memref_slice %arg4[%add3A_440, %dma_start3A_448] : memref<2709504x128xf32, #tpu.memory_space<hbm>> -> memref<336x128xf32, #tpu.memory_space<hbm>>
      %dma_start3A_450 = arith.constant 0 : i32
      %dma_start3A_451 = arith.constant 0 : i32
      %dma_start3A_452 = tpu.memref_slice %arg6[%dma_start3A_441, %dma_start3A_450, %dma_start3A_451] : memref<2x336x128xf32, #tpu.memory_space<vmem>> -> memref<1x336x128xf32, #tpu.memory_space<vmem>>
      %dma_start3A_453 = tpu.memref_squeeze %dma_start3A_452 : memref<1x336x128xf32, #tpu.memory_space<vmem>> -> memref<336x128xf32, #tpu.memory_space<vmem>>
      tpu.enqueue_dma source(%dma_start3A_453 : memref<336x128xf32, #tpu.memory_space<vmem>>) target(%dma_start3A_449 : memref<336x128xf32, #tpu.memory_space<hbm>>) target_semaphore(%arg10 : memref<!tpu.dma_semaphore, #tpu.memory_space<semaphore_mem>>)
    }
    %scan3A_197 = arith.constant 62 : i32
    %dma_wait3A_198 = arith.constant 0 : i32
    %dma_wait3A_199 = arith.constant 0 : i32
    %dma_wait3A_200 = arith.constant 0 : i32
    %dma_wait3A_201 = tpu.memref_slice %arg6[%dma_wait3A_198, %dma_wait3A_199, %dma_wait3A_200] : memref<2x336x128xf32, #tpu.memory_space<vmem>> -> memref<1x336x128xf32, #tpu.memory_space<vmem>>
    %dma_wait3A_202 = tpu.memref_squeeze %dma_wait3A_201 : memref<1x336x128xf32, #tpu.memory_space<vmem>> -> memref<336x128xf32, #tpu.memory_space<vmem>>
    %dma_wait3A_203 = arith.constant 0 : i32
    %dma_wait3A_204 = tpu.memref_slice %arg4[%mul3A_2, %dma_wait3A_203] : memref<2709504x128xf32, #tpu.memory_space<hbm>> -> memref<336x128xf32, #tpu.memory_space<hbm>>
    %dma_wait3A_205 = arith.constant 0 : i32
    %dma_wait3A_206 = tpu.memref_slice %arg4[%mul3A_2, %dma_wait3A_205] : memref<2709504x128xf32, #tpu.memory_space<hbm>> -> memref<336x128xf32, #tpu.memory_space<hbm>>
    %dma_wait3A_207 = arith.constant 0 : i32
    %dma_wait3A_208 = arith.constant 0 : i32
    %dma_wait3A_209 = tpu.memref_slice %arg6[%dma_wait3A_198, %dma_wait3A_207, %dma_wait3A_208] : memref<2x336x128xf32, #tpu.memory_space<vmem>> -> memref<1x336x128xf32, #tpu.memory_space<vmem>>
    %dma_wait3A_210 = tpu.memref_squeeze %dma_wait3A_209 : memref<1x336x128xf32, #tpu.memory_space<vmem>> -> memref<336x128xf32, #tpu.memory_space<vmem>>
    tpu.wait_dma2 semaphore(%arg9 : memref<!tpu.dma_semaphore, #tpu.memory_space<semaphore_mem>>) src(%dma_wait3A_210 : memref<336x128xf32, #tpu.memory_space<vmem>>) dst(%dma_wait3A_206 : memref<336x128xf32, #tpu.memory_space<hbm>>)
    %dma_wait3A_211 = arith.constant 1 : i32
    %dma_wait3A_212 = arith.constant 0 : i32
    %dma_wait3A_213 = arith.constant 0 : i32
    %dma_wait3A_214 = tpu.memref_slice %arg6[%dma_wait3A_211, %dma_wait3A_212, %dma_wait3A_213] : memref<2x336x128xf32, #tpu.memory_space<vmem>> -> memref<1x336x128xf32, #tpu.memory_space<vmem>>
    %dma_wait3A_215 = tpu.memref_squeeze %dma_wait3A_214 : memref<1x336x128xf32, #tpu.memory_space<vmem>> -> memref<336x128xf32, #tpu.memory_space<vmem>>
    %dma_wait3A_216 = arith.constant 0 : i32
    %dma_wait3A_217 = tpu.memref_slice %arg4[%mul3A_2, %dma_wait3A_216] : memref<2709504x128xf32, #tpu.memory_space<hbm>> -> memref<336x128xf32, #tpu.memory_space<hbm>>
    %dma_wait3A_218 = arith.constant 0 : i32
    %dma_wait3A_219 = tpu.memref_slice %arg4[%mul3A_2, %dma_wait3A_218] : memref<2709504x128xf32, #tpu.memory_space<hbm>> -> memref<336x128xf32, #tpu.memory_space<hbm>>
    %dma_wait3A_220 = arith.constant 0 : i32
    %dma_wait3A_221 = arith.constant 0 : i32
    %dma_wait3A_222 = tpu.memref_slice %arg6[%dma_wait3A_211, %dma_wait3A_220, %dma_wait3A_221] : memref<2x336x128xf32, #tpu.memory_space<vmem>> -> memref<1x336x128xf32, #tpu.memory_space<vmem>>
    %dma_wait3A_223 = tpu.memref_squeeze %dma_wait3A_222 : memref<1x336x128xf32, #tpu.memory_space<vmem>> -> memref<336x128xf32, #tpu.memory_space<vmem>>
    tpu.wait_dma2 semaphore(%arg10 : memref<!tpu.dma_semaphore, #tpu.memory_space<semaphore_mem>>) src(%dma_wait3A_223 : memref<336x128xf32, #tpu.memory_space<vmem>>) dst(%dma_wait3A_219 : memref<336x128xf32, #tpu.memory_space<hbm>>)
    return
  }
}

module attributes {stable_mosaic.version = 14 : i64} {
  func.func @body(%arg0: i32, %arg1: memref<2048x128xf32, #tpu.memory_space<vmem>>, %arg2: memref<8x128xf32, #tpu.memory_space<vmem>>, %arg3: memref<8x128xf32, #tpu.memory_space<vmem>>, %arg4: memref<2048x128xf32, #tpu.memory_space<vmem>>) attributes {dimension_semantics = [#tpu.dimension_semantics<arbitrary>], iteration_bounds = array<i64: 57>, scalar_prefetch = 0 : i64, scratch_operands = 0 : i64, tpu.core_type = #tpu.core_type<tc>, window_params = [{transform_indices = @transform_0, window_bounds = array<i64: 2048, 128>}, {pipeline_mode = #tpu.pipeline_mode<synchronous>, transform_indices = @transform_1, window_bounds = array<i64: 8, 128>}, {pipeline_mode = #tpu.pipeline_mode<synchronous>, transform_indices = @transform_2, window_bounds = array<i64: 8, 128>}, {transform_indices = @transform_3, window_bounds = array<i64: 2048, 128>}]} {
    %get3A = arith.constant 0 : index
    %get3A_0 = arith.constant 0 : index
    %get3A_1 = vector.load %arg1[%get3A, %get3A_0] : memref<2048x128xf32, #tpu.memory_space<vmem>>, vector<2048x128xf32>
    %reduce_sum3A = arith.constant dense<0.000000e+00> : vector<2048xf32>
    %reduce_sum3A_2 = vector.multi_reduction <add>, %get3A_1, %reduce_sum3A [1] : vector<2048x128xf32> to vector<2048xf32>
    %broadcast_in_dim3A = vector.shape_cast %reduce_sum3A_2 : vector<2048xf32> to vector<2048x1xf32>
    %div3A = arith.constant 1.280000e+02 : f32
    %div3A_3 = vector.broadcast %div3A : f32 to vector<2048x1xf32>
    %div3A_4 = arith.divf %broadcast_in_dim3A, %div3A_3 : vector<2048x1xf32>
    %sub3A = vector.broadcast %div3A_4 : vector<2048x1xf32> to vector<2048x128xf32>
    %sub3A_5 = arith.subf %get3A_1, %sub3A : vector<2048x128xf32>
    %integer_pow3A = arith.mulf %sub3A_5, %sub3A_5 : vector<2048x128xf32>
    %reduce_sum3A_6 = arith.constant dense<0.000000e+00> : vector<2048xf32>
    %reduce_sum3A_7 = vector.multi_reduction <add>, %integer_pow3A, %reduce_sum3A_6 [1] : vector<2048x128xf32> to vector<2048xf32>
    %broadcast_in_dim3A_8 = vector.shape_cast %reduce_sum3A_7 : vector<2048xf32> to vector<2048x1xf32>
    %div3A_9 = arith.constant 1.280000e+02 : f32
    %div3A_10 = vector.broadcast %div3A_9 : f32 to vector<2048x1xf32>
    %div3A_11 = arith.divf %broadcast_in_dim3A_8, %div3A_10 : vector<2048x1xf32>
    %sub3A_12 = vector.broadcast %div3A_4 : vector<2048x1xf32> to vector<2048x128xf32>
    %sub3A_13 = arith.subf %get3A_1, %sub3A_12 : vector<2048x128xf32>
    %add3A = arith.constant 9.99999974E-6 : f32
    %add3A_14 = vector.broadcast %add3A : f32 to vector<2048x1xf32>
    %add3A_15 = arith.addf %div3A_11, %add3A_14 : vector<2048x1xf32>
    %rsqrt3A = math.rsqrt %add3A_15 : vector<2048x1xf32>
    %mul3A = vector.broadcast %rsqrt3A : vector<2048x1xf32> to vector<2048x128xf32>
    %mul3A_16 = arith.mulf %sub3A_13, %mul3A : vector<2048x128xf32>
    %get3A_17 = arith.constant 0 : index
    %get3A_18 = arith.constant 0 : index
    %get3A_19 = vector.load %arg2[%get3A_17, %get3A_18] : memref<8x128xf32, #tpu.memory_space<vmem>>, vector<1x128xf32>
    %get3A_20 = vector.shape_cast %get3A_19 : vector<1x128xf32> to vector<128xf32>
    %broadcast_in_dim3A_21 = vector.shape_cast %get3A_20 : vector<128xf32> to vector<1x128xf32>
    %mul3A_22 = vector.broadcast %broadcast_in_dim3A_21 : vector<1x128xf32> to vector<2048x128xf32>
    %mul3A_23 = arith.mulf %mul3A_16, %mul3A_22 : vector<2048x128xf32>
    %get3A_24 = arith.constant 0 : index
    %get3A_25 = arith.constant 0 : index
    %get3A_26 = vector.load %arg3[%get3A_24, %get3A_25] : memref<8x128xf32, #tpu.memory_space<vmem>>, vector<1x128xf32>
    %get3A_27 = vector.shape_cast %get3A_26 : vector<1x128xf32> to vector<128xf32>
    %broadcast_in_dim3A_28 = vector.shape_cast %get3A_27 : vector<128xf32> to vector<1x128xf32>
    %add3A_29 = vector.broadcast %broadcast_in_dim3A_28 : vector<1x128xf32> to vector<2048x128xf32>
    %add3A_30 = arith.addf %mul3A_23, %add3A_29 : vector<2048x128xf32>
    %logistic3A = arith.negf %add3A_30 : vector<2048x128xf32>
    %logistic3A_31 = math.exp %logistic3A : vector<2048x128xf32>
    %logistic3A_32 = arith.constant 1.000000e+00 : f32
    %logistic3A_33 = vector.broadcast %logistic3A_32 : f32 to vector<2048x128xf32>
    %logistic3A_34 = arith.addf %logistic3A_33, %logistic3A_31 : vector<2048x128xf32>
    %logistic3A_35 = arith.divf %logistic3A_33, %logistic3A_34 : vector<2048x128xf32>
    %mul3A_36 = arith.mulf %add3A_30, %logistic3A_35 : vector<2048x128xf32>
    %mul3A_37 = arith.constant 2048 : i32
    %mul3A_38 = arith.muli %arg0, %mul3A_37 : i32
    %iota3A = tpu.iota {dimensions = array<i32: 0>} : vector<2048x128xi32>
    %add3A_39 = vector.broadcast %mul3A_38 : i32 to vector<2048x128xi32>
    %add3A_40 = arith.addi %add3A_39, %iota3A : vector<2048x128xi32>
    %lt3A = arith.constant 100000 : i32
    %lt3A_41 = vector.broadcast %lt3A : i32 to vector<2048x128xi32>
    %lt3A_42 = arith.cmpi slt, %add3A_40, %lt3A_41 : vector<2048x128xi32>
    %jit3A = arith.constant 0.000000e+00 : f32
    %broadcast_in_dim3A_43 = vector.broadcast %jit3A : f32 to vector<2048x128xf32>
    %select_n3A = arith.select %lt3A_42, %mul3A_36, %broadcast_in_dim3A_43 : vector<2048x128xi1>, vector<2048x128xf32>
    %swap3A = arith.constant 0 : index
    %swap3A_44 = arith.constant 0 : index
    %swap3A_45 = vector.load %arg4[%swap3A, %swap3A_44] : memref<2048x128xf32, #tpu.memory_space<vmem>>, vector<2048x128xf32>
    tpu.vector_store %arg4[%swap3A, %swap3A_44], %select_n3A {strides = array<i32>} : memref<2048x128xf32, #tpu.memory_space<vmem>>, vector<2048x128xf32>,
    return
  }
  func.func @transform_0(%arg0: i32) -> (i32, i32) {
    %min3A = arith.constant 48 : i32
    %min3A_0 = arith.minsi %arg0, %min3A : i32
    %c0_i32 = arith.constant 0 : i32
    %c0_i32_1 = arith.constant 0 : i32
    return %min3A_0, %c0_i32 : i32, i32
  }
  func.func @transform_1(%arg0: i32) -> (i32, i32) {
    %c0_i32 = arith.constant 0 : i32
    %c0_i32_0 = arith.constant 0 : i32
    %c0_i32_1 = arith.constant 0 : i32
    return %c0_i32, %c0_i32_0 : i32, i32
  }
  func.func @transform_2(%arg0: i32) -> (i32, i32) {
    %c0_i32 = arith.constant 0 : i32
    %c0_i32_0 = arith.constant 0 : i32
    %c0_i32_1 = arith.constant 0 : i32
    return %c0_i32, %c0_i32_0 : i32, i32
  }
  func.func @transform_3(%arg0: i32) -> (i32, i32) {
    %c0_i32 = arith.constant 0 : i32
    %c0_i32_0 = arith.constant 0 : i32
    return %arg0, %c0_i32 : i32, i32
  }
}

module attributes {stable_mosaic.version = 14 : i64} {
  func.func @body(%arg0: i32, %arg1: i32, %arg2: memref<1x2048x128xf32, #tpu.memory_space<vmem>>, %arg3: memref<1x128x128xf32, #tpu.memory_space<vmem>>, %arg4: memref<8x128xf32, #tpu.memory_space<vmem>>, %arg5: memref<2048x8xf32, #tpu.memory_space<vmem>>, %arg6: memref<8x128xf32, #tpu.memory_space<vmem>>, %arg7: memref<8x128xf32, #tpu.memory_space<vmem>>, %arg8: memref<2048x128xf32, #tpu.memory_space<vmem>>, %arg9: memref<2048x128xf32, #tpu.memory_space<vmem>>) attributes {dimension_semantics = [#tpu.dimension_semantics<arbitrary>, #tpu.dimension_semantics<arbitrary>], iteration_bounds = array<i64: 57, 27>, scalar_prefetch = 0 : i64, scratch_operands = 1 : i64, tpu.core_type = #tpu.core_type<tc>, window_params = [{transform_indices = @transform_0, window_bounds = array<i64: 1, 2048, 128>}, {transform_indices = @transform_1, window_bounds = array<i64: 1, 128, 128>}, {pipeline_mode = #tpu.pipeline_mode<synchronous>, transform_indices = @transform_2, window_bounds = array<i64: 8, 128>}, {transform_indices = @transform_3, window_bounds = array<i64: 2048, 8>}, {pipeline_mode = #tpu.pipeline_mode<synchronous>, transform_indices = @transform_4, window_bounds = array<i64: 8, 128>}, {pipeline_mode = #tpu.pipeline_mode<synchronous>, transform_indices = @transform_5, window_bounds = array<i64: 8, 128>}, {transform_indices = @transform_6, window_bounds = array<i64: 2048, 128>}]} {
    %eq3A = arith.constant 0 : i32
    %eq3A_0 = arith.cmpi eq, %arg1, %eq3A : i32
    %convert_element_type3A = arith.extui %eq3A_0 : i1 to i32
    %cond3A = arith.constant 0 : i32
    %cond3A_1 = arith.cmpi ne, %convert_element_type3A, %cond3A : i32
    scf.if %cond3A_1 {
      %broadcast_in_dim3A = arith.constant 0.000000e+00 : f32
      %broadcast_in_dim3A_22 = vector.broadcast %broadcast_in_dim3A : f32 to vector<2048x128xf32>
      %swap3A_23 = arith.constant 0 : index
      %swap3A_24 = arith.constant 0 : index
      %swap3A_25 = vector.load %arg9[%swap3A_23, %swap3A_24] : memref<2048x128xf32, #tpu.memory_space<vmem>>, vector<2048x128xf32>
      tpu.vector_store %arg9[%swap3A_23, %swap3A_24], %broadcast_in_dim3A_22 {strides = array<i32>} : memref<2048x128xf32, #tpu.memory_space<vmem>>, vector<2048x128xf32>,
    } else {
    }
    %get3A = arith.constant 0 : index
    %get3A_2 = arith.constant 0 : index
    %get3A_3 = vector.load %arg9[%get3A, %get3A_2] : memref<2048x128xf32, #tpu.memory_space<vmem>>, vector<2048x128xf32>
    %get3A_4 = arith.constant 0 : index
    %get3A_5 = arith.constant 0 : index
    %get3A_6 = arith.constant 0 : index
    %get3A_7 = vector.load %arg2[%get3A_4, %get3A_5, %get3A_6] : memref<1x2048x128xf32, #tpu.memory_space<vmem>>, vector<1x2048x128xf32>
    %get3A_8 = vector.shape_cast %get3A_7 : vector<1x2048x128xf32> to vector<2048x128xf32>
    %get3A_9 = arith.constant 0 : index
    %get3A_10 = arith.constant 0 : index
    %get3A_11 = arith.constant 0 : index
    %get3A_12 = vector.load %arg3[%get3A_9, %get3A_10, %get3A_11] : memref<1x128x128xf32, #tpu.memory_space<vmem>>, vector<1x128x128xf32>
    %get3A_13 = vector.shape_cast %get3A_12 : vector<1x128x128xf32> to vector<128x128xf32>
    %dot_general3A = arith.constant dense<0.000000e+00> : vector<2048x128xf32>
    %dot_general3A_14 = tpu.matmul %get3A_8, %get3A_13, %dot_general3A {dimension_numbers = #tpu.dot_dimension_numbers<[1], [0], [0], [1], [0, 0, 1, 1], [], []>, transpose_lhs_hint = false} : vector<2048x128xf32>, vector<128x128xf32>, vector<2048x128xf32> -> vector<2048x128xf32>
    %add3A = arith.addf %get3A_3, %dot_general3A_14 : vector<2048x128xf32>
    %swap3A = arith.constant 0 : index
    %swap3A_15 = arith.constant 0 : index
    %swap3A_16 = vector.load %arg9[%swap3A, %swap3A_15] : memref<2048x128xf32, #tpu.memory_space<vmem>>, vector<2048x128xf32>
    tpu.vector_store %arg9[%swap3A, %swap3A_15], %add3A {strides = array<i32>} : memref<2048x128xf32, #tpu.memory_space<vmem>>, vector<2048x128xf32>,
    %eq3A_17 = arith.constant 26 : i32
    %eq3A_18 = arith.cmpi eq, %arg1, %eq3A_17 : i32
    %convert_element_type3A_19 = arith.extui %eq3A_18 : i1 to i32
    %cond3A_20 = arith.constant 0 : i32
    %cond3A_21 = arith.cmpi ne, %convert_element_type3A_19, %cond3A_20 : i32
    scf.if %cond3A_21 {
      %get3A_22 = arith.constant 0 : index
      %get3A_23 = arith.constant 0 : index
      %get3A_24 = vector.load %arg9[%get3A_22, %get3A_23] : memref<2048x128xf32, #tpu.memory_space<vmem>>, vector<2048x128xf32>
      %get3A_25 = arith.constant 0 : index
      %get3A_26 = arith.constant 0 : index
      %get3A_27 = vector.load %arg4[%get3A_25, %get3A_26] : memref<8x128xf32, #tpu.memory_space<vmem>>, vector<1x128xf32>
      %get3A_28 = vector.shape_cast %get3A_27 : vector<1x128xf32> to vector<128xf32>
      %broadcast_in_dim3A = vector.shape_cast %get3A_28 : vector<128xf32> to vector<1x128xf32>
      %add3A_29 = vector.broadcast %broadcast_in_dim3A : vector<1x128xf32> to vector<2048x128xf32>
      %add3A_30 = arith.addf %get3A_24, %add3A_29 : vector<2048x128xf32>
      %reduce_sum3A = arith.constant dense<0.000000e+00> : vector<2048xf32>
      %reduce_sum3A_31 = vector.multi_reduction <add>, %add3A_30, %reduce_sum3A [1] : vector<2048x128xf32> to vector<2048xf32>
      %broadcast_in_dim3A_32 = vector.shape_cast %reduce_sum3A_31 : vector<2048xf32> to vector<2048x1xf32>
      %div3A = arith.constant 1.280000e+02 : f32
      %div3A_33 = vector.broadcast %div3A : f32 to vector<2048x1xf32>
      %div3A_34 = arith.divf %broadcast_in_dim3A_32, %div3A_33 : vector<2048x1xf32>
      %sub3A = vector.broadcast %div3A_34 : vector<2048x1xf32> to vector<2048x128xf32>
      %sub3A_35 = arith.subf %add3A_30, %sub3A : vector<2048x128xf32>
      %integer_pow3A = arith.mulf %sub3A_35, %sub3A_35 : vector<2048x128xf32>
      %reduce_sum3A_36 = arith.constant dense<0.000000e+00> : vector<2048xf32>
      %reduce_sum3A_37 = vector.multi_reduction <add>, %integer_pow3A, %reduce_sum3A_36 [1] : vector<2048x128xf32> to vector<2048xf32>
      %broadcast_in_dim3A_38 = vector.shape_cast %reduce_sum3A_37 : vector<2048xf32> to vector<2048x1xf32>
      %div3A_39 = arith.constant 1.280000e+02 : f32
      %div3A_40 = vector.broadcast %div3A_39 : f32 to vector<2048x1xf32>
      %div3A_41 = arith.divf %broadcast_in_dim3A_38, %div3A_40 : vector<2048x1xf32>
      %sub3A_42 = vector.broadcast %div3A_34 : vector<2048x1xf32> to vector<2048x128xf32>
      %sub3A_43 = arith.subf %add3A_30, %sub3A_42 : vector<2048x128xf32>
      %add3A_44 = arith.constant 9.99999974E-6 : f32
      %add3A_45 = vector.broadcast %add3A_44 : f32 to vector<2048x1xf32>
      %add3A_46 = arith.addf %div3A_41, %add3A_45 : vector<2048x1xf32>
      %rsqrt3A = math.rsqrt %add3A_46 : vector<2048x1xf32>
      %mul3A = vector.broadcast %rsqrt3A : vector<2048x1xf32> to vector<2048x128xf32>
      %mul3A_47 = arith.mulf %sub3A_43, %mul3A : vector<2048x128xf32>
      %get3A_48 = arith.constant 0 : index
      %get3A_49 = arith.constant 0 : index
      %get3A_50 = vector.load %arg5[%get3A_48, %get3A_49] : memref<2048x8xf32, #tpu.memory_space<vmem>>, vector<2048x8xf32>
      %get3A_51 = arith.constant 0 : index
      %get3A_52 = arith.constant 0 : index
      %get3A_53 = vector.load %arg6[%get3A_51, %get3A_52] : memref<8x128xf32, #tpu.memory_space<vmem>>, vector<8x128xf32>
      %dot_general3A_54 = arith.constant dense<0.000000e+00> : vector<2048x128xf32>
      %dot_general3A_55 = tpu.matmul %get3A_50, %get3A_53, %dot_general3A_54 {dimension_numbers = #tpu.dot_dimension_numbers<[1], [0], [0], [1], [0, 0, 1, 1], [], []>, transpose_lhs_hint = false} : vector<2048x8xf32>, vector<8x128xf32>, vector<2048x128xf32> -> vector<2048x128xf32>
      %get3A_56 = arith.constant 0 : index
      %get3A_57 = arith.constant 0 : index
      %get3A_58 = vector.load %arg7[%get3A_56, %get3A_57] : memref<8x128xf32, #tpu.memory_space<vmem>>, vector<8x128xf32>
      %dot_general3A_59 = arith.constant dense<0.000000e+00> : vector<2048x128xf32>
      %dot_general3A_60 = tpu.matmul %get3A_50, %get3A_58, %dot_general3A_59 {dimension_numbers = #tpu.dot_dimension_numbers<[1], [0], [0], [1], [0, 0, 1, 1], [], []>, transpose_lhs_hint = false} : vector<2048x8xf32>, vector<8x128xf32>, vector<2048x128xf32> -> vector<2048x128xf32>
      %add3A_61 = arith.constant 1.000000e+00 : f32
      %add3A_62 = vector.broadcast %add3A_61 : f32 to vector<2048x128xf32>
      %add3A_63 = arith.addf %add3A_62, %dot_general3A_60 : vector<2048x128xf32>
      %mul3A_64 = arith.mulf %mul3A_47, %add3A_63 : vector<2048x128xf32>
      %add3A_65 = arith.addf %mul3A_64, %dot_general3A_55 : vector<2048x128xf32>
      %logistic3A = arith.negf %add3A_65 : vector<2048x128xf32>
      %logistic3A_66 = math.exp %logistic3A : vector<2048x128xf32>
      %logistic3A_67 = arith.constant 1.000000e+00 : f32
      %logistic3A_68 = vector.broadcast %logistic3A_67 : f32 to vector<2048x128xf32>
      %logistic3A_69 = arith.addf %logistic3A_68, %logistic3A_66 : vector<2048x128xf32>
      %logistic3A_70 = arith.divf %logistic3A_68, %logistic3A_69 : vector<2048x128xf32>
      %mul3A_71 = arith.mulf %add3A_65, %logistic3A_70 : vector<2048x128xf32>
      %mul3A_72 = arith.constant 2048 : i32
      %mul3A_73 = arith.muli %arg0, %mul3A_72 : i32
      %iota3A = tpu.iota {dimensions = array<i32: 0>} : vector<2048x128xi32>
      %add3A_74 = vector.broadcast %mul3A_73 : i32 to vector<2048x128xi32>
      %add3A_75 = arith.addi %add3A_74, %iota3A : vector<2048x128xi32>
      %lt3A = arith.constant 100000 : i32
      %lt3A_76 = vector.broadcast %lt3A : i32 to vector<2048x128xi32>
      %lt3A_77 = arith.cmpi slt, %add3A_75, %lt3A_76 : vector<2048x128xi32>
      %jit3A = arith.constant 0.000000e+00 : f32
      %broadcast_in_dim3A_78 = vector.broadcast %jit3A : f32 to vector<2048x128xf32>
      %select_n3A = arith.select %lt3A_77, %mul3A_71, %broadcast_in_dim3A_78 : vector<2048x128xi1>, vector<2048x128xf32>
      %swap3A_79 = arith.constant 0 : index
      %swap3A_80 = arith.constant 0 : index
      %swap3A_81 = vector.load %arg8[%swap3A_79, %swap3A_80] : memref<2048x128xf32, #tpu.memory_space<vmem>>, vector<2048x128xf32>
      tpu.vector_store %arg8[%swap3A_79, %swap3A_80], %select_n3A {strides = array<i32>} : memref<2048x128xf32, #tpu.memory_space<vmem>>, vector<2048x128xf32>,
    } else {
    }
    return
  }
  func.func @transform_0(%arg0: i32, %arg1: i32) -> (i32, i32, i32) {
    %min3A = arith.constant 48 : i32
    %min3A_0 = arith.minsi %arg0, %min3A : i32
    %c0_i32 = arith.constant 0 : i32
    %c0_i32_1 = arith.constant 0 : i32
    return %arg1, %min3A_0, %c0_i32 : i32, i32, i32
  }
  func.func @transform_1(%arg0: i32, %arg1: i32) -> (i32, i32, i32) {
    %c0_i32 = arith.constant 0 : i32
    %c0_i32_0 = arith.constant 0 : i32
    %c0_i32_1 = arith.constant 0 : i32
    return %arg1, %c0_i32, %c0_i32_0 : i32, i32, i32
  }
  func.func @transform_2(%arg0: i32, %arg1: i32) -> (i32, i32) {
    %c0_i32 = arith.constant 0 : i32
    %c0_i32_0 = arith.constant 0 : i32
    %c0_i32_1 = arith.constant 0 : i32
    return %c0_i32, %c0_i32_0 : i32, i32
  }
  func.func @transform_3(%arg0: i32, %arg1: i32) -> (i32, i32) {
    %c0_i32 = arith.constant 0 : i32
    %c0_i32_0 = arith.constant 0 : i32
    return %arg0, %c0_i32 : i32, i32
  }
  func.func @transform_4(%arg0: i32, %arg1: i32) -> (i32, i32) {
    %c0_i32 = arith.constant 0 : i32
    %c0_i32_0 = arith.constant 0 : i32
    %c0_i32_1 = arith.constant 0 : i32
    return %c0_i32, %c0_i32_0 : i32, i32
  }
  func.func @transform_5(%arg0: i32, %arg1: i32) -> (i32, i32) {
    %c0_i32 = arith.constant 0 : i32
    %c0_i32_0 = arith.constant 0 : i32
    %c0_i32_1 = arith.constant 0 : i32
    return %c0_i32, %c0_i32_0 : i32, i32
  }
  func.func @transform_6(%arg0: i32, %arg1: i32) -> (i32, i32) {
    %c0_i32 = arith.constant 0 : i32
    %c0_i32_0 = arith.constant 0 : i32
    return %arg0, %c0_i32 : i32, i32
  }
}

module attributes {stable_mosaic.version = 14 : i64} {
  func.func @body(%arg0: i32, %arg1: i32, %arg2: memref<1x2048x128xf32, #tpu.memory_space<vmem>>, %arg3: memref<1x128x128xf32, #tpu.memory_space<vmem>>, %arg4: memref<8x128xf32, #tpu.memory_space<vmem>>, %arg5: memref<2048x128xf32, #tpu.memory_space<vmem>>) attributes {dimension_semantics = [#tpu.dimension_semantics<arbitrary>, #tpu.dimension_semantics<arbitrary>], iteration_bounds = array<i64: 49, 27>, scalar_prefetch = 0 : i64, scratch_operands = 0 : i64, tpu.core_type = #tpu.core_type<tc>, window_params = [{transform_indices = @transform_0, window_bounds = array<i64: 1, 2048, 128>}, {transform_indices = @transform_1, window_bounds = array<i64: 1, 128, 128>}, {pipeline_mode = #tpu.pipeline_mode<synchronous>, transform_indices = @transform_2, window_bounds = array<i64: 8, 128>}, {transform_indices = @transform_3, window_bounds = array<i64: 2048, 128>}]} {
    %eq3A = arith.constant 0 : i32
    %eq3A_0 = arith.cmpi eq, %arg1, %eq3A : i32
    %convert_element_type3A = arith.extui %eq3A_0 : i1 to i32
    %cond3A = arith.constant 0 : i32
    %cond3A_1 = arith.cmpi ne, %convert_element_type3A, %cond3A : i32
    scf.if %cond3A_1 {
      %broadcast_in_dim3A = arith.constant 0.000000e+00 : f32
      %broadcast_in_dim3A_22 = vector.broadcast %broadcast_in_dim3A : f32 to vector<2048x128xf32>
      %swap3A_23 = arith.constant 0 : index
      %swap3A_24 = arith.constant 0 : index
      %swap3A_25 = vector.load %arg5[%swap3A_23, %swap3A_24] : memref<2048x128xf32, #tpu.memory_space<vmem>>, vector<2048x128xf32>
      tpu.vector_store %arg5[%swap3A_23, %swap3A_24], %broadcast_in_dim3A_22 {strides = array<i32>} : memref<2048x128xf32, #tpu.memory_space<vmem>>, vector<2048x128xf32>,
    } else {
    }
    %get3A = arith.constant 0 : index
    %get3A_2 = arith.constant 0 : index
    %get3A_3 = vector.load %arg5[%get3A, %get3A_2] : memref<2048x128xf32, #tpu.memory_space<vmem>>, vector<2048x128xf32>
    %get3A_4 = arith.constant 0 : index
    %get3A_5 = arith.constant 0 : index
    %get3A_6 = arith.constant 0 : index
    %get3A_7 = vector.load %arg2[%get3A_4, %get3A_5, %get3A_6] : memref<1x2048x128xf32, #tpu.memory_space<vmem>>, vector<1x2048x128xf32>
    %get3A_8 = vector.shape_cast %get3A_7 : vector<1x2048x128xf32> to vector<2048x128xf32>
    %get3A_9 = arith.constant 0 : index
    %get3A_10 = arith.constant 0 : index
    %get3A_11 = arith.constant 0 : index
    %get3A_12 = vector.load %arg3[%get3A_9, %get3A_10, %get3A_11] : memref<1x128x128xf32, #tpu.memory_space<vmem>>, vector<1x128x128xf32>
    %get3A_13 = vector.shape_cast %get3A_12 : vector<1x128x128xf32> to vector<128x128xf32>
    %dot_general3A = arith.constant dense<0.000000e+00> : vector<2048x128xf32>
    %dot_general3A_14 = tpu.matmul %get3A_8, %get3A_13, %dot_general3A {dimension_numbers = #tpu.dot_dimension_numbers<[1], [0], [0], [1], [0, 0, 1, 1], [], []>, transpose_lhs_hint = false} : vector<2048x128xf32>, vector<128x128xf32>, vector<2048x128xf32> -> vector<2048x128xf32>
    %add3A = arith.addf %get3A_3, %dot_general3A_14 : vector<2048x128xf32>
    %swap3A = arith.constant 0 : index
    %swap3A_15 = arith.constant 0 : index
    %swap3A_16 = vector.load %arg5[%swap3A, %swap3A_15] : memref<2048x128xf32, #tpu.memory_space<vmem>>, vector<2048x128xf32>
    tpu.vector_store %arg5[%swap3A, %swap3A_15], %add3A {strides = array<i32>} : memref<2048x128xf32, #tpu.memory_space<vmem>>, vector<2048x128xf32>,
    %eq3A_17 = arith.constant 26 : i32
    %eq3A_18 = arith.cmpi eq, %arg1, %eq3A_17 : i32
    %convert_element_type3A_19 = arith.extui %eq3A_18 : i1 to i32
    %cond3A_20 = arith.constant 0 : i32
    %cond3A_21 = arith.cmpi ne, %convert_element_type3A_19, %cond3A_20 : i32
    scf.if %cond3A_21 {
      %get3A_22 = arith.constant 0 : index
      %get3A_23 = arith.constant 0 : index
      %get3A_24 = vector.load %arg5[%get3A_22, %get3A_23] : memref<2048x128xf32, #tpu.memory_space<vmem>>, vector<2048x128xf32>
      %get3A_25 = arith.constant 0 : index
      %get3A_26 = arith.constant 0 : index
      %get3A_27 = vector.load %arg4[%get3A_25, %get3A_26] : memref<8x128xf32, #tpu.memory_space<vmem>>, vector<1x128xf32>
      %get3A_28 = vector.shape_cast %get3A_27 : vector<1x128xf32> to vector<128xf32>
      %broadcast_in_dim3A = vector.shape_cast %get3A_28 : vector<128xf32> to vector<1x128xf32>
      %add3A_29 = vector.broadcast %broadcast_in_dim3A : vector<1x128xf32> to vector<2048x128xf32>
      %add3A_30 = arith.addf %get3A_24, %add3A_29 : vector<2048x128xf32>
      %swap3A_31 = arith.constant 0 : index
      %swap3A_32 = arith.constant 0 : index
      %swap3A_33 = vector.load %arg5[%swap3A_31, %swap3A_32] : memref<2048x128xf32, #tpu.memory_space<vmem>>, vector<2048x128xf32>
      tpu.vector_store %arg5[%swap3A_31, %swap3A_32], %add3A_30 {strides = array<i32>} : memref<2048x128xf32, #tpu.memory_space<vmem>>, vector<2048x128xf32>,
    } else {
    }
    return
  }
  func.func @transform_0(%arg0: i32, %arg1: i32) -> (i32, i32, i32) {
    %c0_i32 = arith.constant 0 : i32
    %c0_i32_0 = arith.constant 0 : i32
    return %arg1, %arg0, %c0_i32 : i32, i32, i32
  }
  func.func @transform_1(%arg0: i32, %arg1: i32) -> (i32, i32, i32) {
    %c0_i32 = arith.constant 0 : i32
    %c0_i32_0 = arith.constant 0 : i32
    %c0_i32_1 = arith.constant 0 : i32
    return %arg1, %c0_i32, %c0_i32_0 : i32, i32, i32
  }
  func.func @transform_2(%arg0: i32, %arg1: i32) -> (i32, i32) {
    %c0_i32 = arith.constant 0 : i32
    %c0_i32_0 = arith.constant 0 : i32
    %c0_i32_1 = arith.constant 0 : i32
    return %c0_i32, %c0_i32_0 : i32, i32
  }
  func.func @transform_3(%arg0: i32, %arg1: i32) -> (i32, i32) {
    %c0_i32 = arith.constant 0 : i32
    %c0_i32_0 = arith.constant 0 : i32
    return %arg0, %c0_i32 : i32, i32
  }
}

</mosaic_0001>

<sc_bundles>
// kernel: kernel.10.cloned.1.call-start
scs
__scs_entry_jumppad:
0x0: {  	(pc) =	sbr.rel $0x88, $3  }
0x1: {  	(tag) =	ssettag $0x0;
	lr =	simm.s32 $0x1  }
0x2: {  	[smem:$0x3F91] =	sst lr;
	_ =	strace $0xD0000000  }
0x3: {  	_ = 	snop  }
0x4: {  	_ = 	snop  }
0x5: {  	_ = 	snop  }
0x6: {  	_ = 	snop  }
0x7: {  	_ = 	snop  }
__scs_overlays_trampoline_lowered:
0x8: {  	[smem:$0x3FA0] =	sst s0  }
0x9: {  	[smem:$0x3FA1] =	sst s1  }
0xa: {  	[smem:$0x3FA2] =	sst s2  }
0xb: {  	[smem:$0x3FA3] =	sst s3  }
0xc: {  	[smem:$0x3FA4] =	sst s4  }
0xd: {  	[smem:$0x3FA5] =	sst s5  }
0xe: {  	[smem:$0x3FA6] =	sst s6  }
0xf: {  	[smem:$0x3FA7] =	sst s7  }
0x10: {  	[smem:$0x3FA8] =	sst s8  }
0x11: {  	[smem:$0x3FA9] =	sst s9;
	s0 =	simm.s32 @!p0 $0x0  }
0x12: {  	s1 =	sld [smem:$0x3F8F];
	s0 =	simm.s32 @p0 $0x1  }
0x13: {  	[smem:$0x3FAA] =	sst s0;
	s0 =	simm.s32 @!p1 $0x0  }
0x14: {  	s2 =	sld [smem:$0x3F8E];
	s0 =	simm.s32 @p1 $0x1  }
0x15: {  	[smem:$0x3FAB] =	sst s0;
	s0 =	simm.s32 @!p2 $0x0  }
0x16: {  	s3 =	sld [smem:$0x3FDB];
	s0 =	simm.s32 @p2 $0x1  }
0x17: {  	s4 =	simm.s32 $0x1BF5;
	[smem:$0x3FAD] =	sst s0  }
0x18: {  	s0 =	sld [smem:$0x3F90];
	_ =	swait.ge [sflag:s4], $0x0  }
0x19: {  	s7 =	sld [smem:$0x3F91]  }
0x1a: {  	s8 =	sadd.s32 $0xFFFFE003, lr  }
0x1b: {  	s9 =	sadd.s32 $0xFFFFFEF7, lr;
	s5 =	simm.s32 $0xFFFFFFFF;
	p2 =	slt.u32 s8, $0xFFFFF086  }
0x1c: {  	p1 =	slt.u32 s9, $0xF7A;
	s5 =	simm.s32 @!p2 $0x0  }
0x1d: {  	s5 =	simm.s32 @p1 $0x1;
	p0 =	seq.s32 s7, s2  }
0x1e: {  	s7 =	smul.u32 @!p0 $0xF7A, s2;
	p2 =	seq.s32 @!p0 s5, $0x0  }
0x1f: {  	s9 =	smul.u32 $0xF7A, s1;
	s8 =	simm.s32 @!p0 $0x1BF5;
	p2 =	por !p2, p0  }
0x20: {  	[sflag:s8] =	ssyncset.s32 @!p0 $0xFFFFF086;
	s6 =	sadd.s32 @!p0 s3, s7;
	s7 =	simm.s32 @!p0 $0x108  }
0x21: {  	s3 =	sadd.s32 s3, s9;
	s6 =	sadd.s32 @!p0 $0x88, s6;
	s7 =	simm.s32 @p2 $0x1082  }
0x22: {  	[simem:s7], [sflag:s8] =	dma.local @!p0 [hbm:s6], $0xF7A  }
0x23: {  	s9 =	sor.u32 $0xD0000000, s2;
	s6 =	simm.s32 $0x108;
	_ =	swait.ge @!p0 [sflag:s8], $0x0  }
0x24: {  	s3 =	sadd.s32 $0x88, s3;
	s6 =	simm.s32 @!p1 $0x1082;
	[sflag:s4] =	ssyncset.s32 $0xFFFFF086  }
0x25: {  	[simem:s6], [sflag:s4] =	dma.local [hbm:s3], $0xF7A  }
0x26: {  	[smem:$0x3F91] =	sst s1;
	(tag) =	ssettag s2;
	_ =	strace s9  }
0x27: {  	s1 =	sld [smem:$0x3FA1]  }
0x28: {  	s2 =	sld [smem:$0x3FA2]  }
0x29: {  	s4 =	sld [smem:$0x3FA4]  }
0x2a: {  	p0 =	seq.s32 s5, $0x0;
	s5 =	sld [smem:$0x3FA5]  }
0x2b: {  	s6 =	sld [smem:$0x3FA6]  }
0x2c: {  	s7 =	sld [smem:$0x3FA7]  }
0x2d: {  	s3 =	simm.s32 $0x108;
	s8 =	sld [smem:$0x3FA8]  }
0x2e: {  	s3 =	simm.s32 @!p0 $0x1082;
	s9 =	sld [smem:$0x3FA9]  }
0x2f: {  	lr =	sadd.s32 s0, s3;
	s0 =	sld [smem:$0x3FA0]  }
0x30: {  	s3 =	sld [smem:$0x3FA3]  }
0x31: {  	[smem:$0x3FAC] =	sst s10  }
0x32: {  	s10 =	sld [smem:$0x3FAA];
	_ =	sdelay $0x3  }
0x33: {  	p0 =	seq.s32 s10, $0x1;
	s10 =	sld [smem:$0x3FAC];
	_ =	sdelay $0x3  }
0x34: {  	[smem:$0x3FAC] =	sst s10  }
0x35: {  	s10 =	sld [smem:$0x3FAB];
	_ =	sdelay $0x3  }
0x36: {  	p1 =	seq.s32 s10, $0x1;
	s10 =	sld [smem:$0x3FAC];
	_ =	sdelay $0x3  }
0x37: {  	[smem:$0x3FAC] =	sst s10  }
0x38: {  	s10 =	sld [smem:$0x3FAD]  }
0x39: {  	_ = 	snop;
	(pc) =	sbr.ind lr, $3  }
0x3a: {  	_ = 	snop  }
0x3b: {  	_ = 	snop  }
0x3c: {  	p2 =	seq.s32 s10, $0x1;
	s10 =	sld [smem:$0x3FAC]  }
0x3d: {  	_ =	shalt  }
0x3e: {  	_ =	shalt  }
0x3f: {  	_ =	shalt  }
0x40: {  	_ =	shalt  }
0x41: {  	_ =	shalt  }
0x42: {  	_ =	shalt  }
0x43: {  	_ =	shalt  }
0x44: {  	_ =	shalt  }
0x45: {  	_ =	shalt  }
0x46: {  	_ =	shalt  }
0x47: {  	_ =	shalt  }
0x48: {  	_ =	shalt  }
0x49: {  	_ =	shalt  }
0x4a: {  	_ =	shalt  }
0x4b: {  	_ =	shalt  }
0x4c: {  	_ =	shalt  }
0x4d: {  	_ =	shalt  }
0x4e: {  	_ =	shalt  }
0x4f: {  	_ =	shalt  }
0x50: {  	_ =	shalt  }
0x51: {  	_ =	shalt  }
0x52: {  	_ =	shalt  }
0x53: {  	_ =	shalt  }
0x54: {  	_ =	shalt  }
0x55: {  	_ =	shalt  }
0x56: {  	_ =	shalt  }
0x57: {  	_ =	shalt  }
0x58: {  	_ =	shalt  }
0x59: {  	_ =	shalt  }
0x5a: {  	_ =	shalt  }
0x5b: {  	_ =	shalt  }
0x5c: {  	_ =	shalt  }
0x5d: {  	_ =	shalt  }
0x5e: {  	_ =	shalt  }
0x5f: {  	_ =	shalt  }
0x60: {  	_ =	shalt  }
0x61: {  	_ =	shalt  }
0x62: {  	_ =	shalt  }
0x63: {  	_ =	shalt  }
0x64: {  	_ =	shalt  }
0x65: {  	_ =	shalt  }
0x66: {  	_ =	shalt  }
0x67: {  	_ =	shalt  }
0x68: {  	_ =	shalt  }
0x69: {  	_ =	shalt  }
0x6a: {  	_ =	shalt  }
0x6b: {  	_ =	shalt  }
0x6c: {  	_ =	shalt  }
0x6d: {  	_ =	shalt  }
0x6e: {  	_ =	shalt  }
0x6f: {  	_ =	shalt  }
0x70: {  	_ =	shalt  }
0x71: {  	_ =	shalt  }
0x72: {  	_ =	shalt  }
0x73: {  	_ =	shalt  }
0x74: {  	_ =	shalt  }
0x75: {  	_ =	shalt  }
0x76: {  	_ =	shalt  }
0x77: {  	_ =	shalt  }
0x78: {  	_ =	shalt  }
0x79: {  	_ =	shalt  }
0x7a: {  	_ =	shalt  }
0x7b: {  	_ =	shalt  }
0x7c: {  	_ =	shalt  }
0x7d: {  	_ =	shalt  }
0x7e: {  	_ =	shalt  }
0x7f: {  	_ =	shalt  }
0x80: {  	_ =	shalt  }
0x81: {  	_ =	shalt  }
0x82: {  	_ =	shalt  }
0x83: {  	_ =	shalt  }
0x84: {  	_ =	shalt  }
0x85: {  	_ =	shalt  }
0x86: {  	_ =	shalt  }
0x87: {  	_ =	shalt  }
.Lfunc_end0:
.L_simem_size_0:
called_computation.1_lowered:
.L_overlay_start_0:
0x88: {  	s2 =	sld [smem:$0x3FD9]  }
0x89: {  	s3 =	sld [smem:$0x3FFE];
	_ =	sdelay $0x1  }
0x8a: {  	s1 =	srdreg.scid  }
0x8b: {  	s0 =	sand.u32 $0x1, s1  }
0x8c: {  	s16 =	sshll.u32 s0, $0xA;
	s2 =	sadd.s32 s3, s2  }
0x8d: {  	s2 =	sadd.s32 s2, s16  }
0x8e: {  	[smem:$0x3FB8] =	sst s2  }
0x8f: {  	_ = 	snop  }
0x90: {  	(tm) =	ssettm $0x1  }
0x91: {  	s17 =	sld [smem:$0x3FFB];
	_ =	sdelay $0x3  }
0x92: {  	_ =	strace s17  }
0x93: {  	s2 =	sld [smem:$0x3FFC];
	_ =	sdelay $0x3  }
0x94: {  	_ =	strace s2  }
0x95: {  	s2 =	sld [smem:$0x3FFD];
	_ =	sdelay $0x3  }
0x96: {  	_ =	strace s2  }
0x97: {  	_ =	strace $0x8FFFFFFF  }
0x98: {  	s18 =	sld [smem:$0x3FDB];
	_ =	sdelay $0x1  }
0x99: {  	s19 =	simm.s32 $_scs_section_size  }
0x9a: {  	s4 =	simm.s32 $_size__tile_overlayer_lowered;
	s5 =	simm.s32 $_tile_overlayer_lowered  }
0x9b: {  	s22 =	simm.s32 $0x1BFF;
	s21 =	sshll.u32 s5, $0x1;
	s2 =	sadd.s32 s19, s18  }
0x9c: {  	s6 =	simm.s32 $0x0;
	s20 =	sshll.u32 s4, $0x1;
	s4 =	sadd.s32 s21, s2  }
0x9d: {  	[timem:s6], [sflag:s22] =	dma.local [hbm:s4], s20  }
0x9e: {  	_ =	swait.ge [sflag:s22], s20  }
0x9f: {  	s3 =	ssub.s32 $0x0, s20;
	[sflag:s22] =	ssyncset.done $0x0  }
0xa0: {  	[sflag:s22] =	ssyncadd.s32 s3;
	_ =	sdelay $0x1  }
0xa1: {  	s23 =	simm.s32 $0x1B8B  }
0xa2: {  	_ =	swait.ge [sflag:s23], $0x1  }
0xa3: {  	[sflag:s23] =	ssyncset.done $0x0  }
0xa4: {  	s25 =	simm.s32 $0x1B8E;
	s24 =	sld [smem:$0x3FFE];
	[sflag:s23] =	ssyncadd.s32 $0xFFFFFFFF  }
0xa5: {  	s26 =	simm.s32 $execute0_lowered;
	[smem:$0x3FD2] =	sst s25  }
0xa6: {  	s4 =	sshll.u32 s26, $0x1;
	_ =	strace $0x80000049;
	[dreg:$0x1] =	wrdreg $0xFFFFFFFF  }
0xa7: {  	s28 =	simm.s32 $_size_execute0_lowered;
	s2 =	sadd.s32 s2, s4;
	[dreg:$0x0] =	wrdreg $0x0  }
0xa8: {  	s4 =	sshll.u32 s28, $0x1;
	[dreg:$0x2] =	wrdreg s2  }
0xa9: {  	[dreg:$0x3] =	wrdreg s4  }
0xaa: {  	[dreg:$0x4] =	wrdreg $0xC0  }
0xab: {  	_ =	task [dreg:s6], $0x5FFFF  }
0xac: {  	[dreg:$0x1] =	wrdreg $0xFFFFFFFF  }
0xad: {  	[dreg:$0x0] =	wrdreg $0x60  }
0xae: {  	[dreg:$0x2] =	wrdreg s24  }
0xaf: {  	[dreg:$0x3] =	wrdreg $0x9  }
0xb0: {  	_ =	task.clear_ibuf [dreg:s6], $0x4FFFF;
	_ =	strace $0x90000049  }
0xb1: {  	s29 =	simm.s32 $0x9;
	_ =	strace $0x8000004B  }
0xb2: {  	_ =	swait.ge [sflag:s29], $0x1  }
0xb3: {  	[sflag:s29] =	ssyncadd.s32 $0xFFFFFFFF  }
0xb4: {  	_ =	strace $0x9000004B  }
0xb5: {  	_ =	sfence  }
0xb6: {  	s30 =	sld [smem:$0x0];
	_ =	sdelay $0x2  }
0xb7: {  	s31 =	sshll.u32 s1, $0xD;
	s1 =	sshrl.u32 s1, $0x2  }
0xb8: {  	s3 =	sand.u32 $0x4000, s31;
	s1 =	sadd.s32 s1, s30  }
0xb9: {  	s0 =	sor.u32 s3, s0;
	s1 =	sshll.u32 s1, $0x11  }
0xba: {  	s0 =	sor.u32 s1, s0  }
0xbb: {  	s0 =	sadd.s32 $0x8F2B, s0  }
0xbc: {  	[sflag:s0] =	ssyncadd.remote.s32 $0x1  }
0xbd: {  	_ =	sfence.sel $0xFFFF  }
0xbe: {  	[dreg:$0x0] =	wrdreg $0xFFFFFFFF;
	(pc) =	sbr.abs _section_cstart, $3  }
0xbf: {  	[dreg:$0x1] =	wrdreg $0xFFFFFFFF  }
0xc0: {  	_ =	task.clear_ibuf [dreg:s6], $0x2FFFF;
	_ =	strace $0x9FFFFFFF  }
0xc1: {  	(tm) =	ssettm $0x7FFFFFFF  }
tec
execute0_lowered:
.L_overlay_start_1:
0x0: {  	(tag) =	ssettag $0x1  }
0x1: {  	s5 =	rddreg [dreg:$0x0]  }
0x2: {  	s0 =	rddreg [dreg:$0x1]  }
0x3: {  	s3 =	srdreg.scid;
	s1 =	stileid.u32;
	s2 =	simm.s32 $0x0  }
0x4: {  	s17 =	simm.s32 $0x1;
	s18 =	simm.s32 $0x3;
	s19 =	simm.s32 $0x2A0  }
0x5: {  	s20 =	simm.s32 $0x2;
	s21 =	simm.s32 $0x4;
	s13 =	smul.u32 $0x295800, s1  }
0x6: {  	s22 =	simm.s32 $0x3F0;
	s8 =	sand.u32 $0x1, s3;
	s15 =	smul.u32 $0x29580, s1  }
0x7: {  	s23 =	simm.s32 $0x0;
	s28 =	sshll.u32 s1, $0x1;
	s14 =	smul.u32 $0x14AC00, s8  }
0x8: {  	[smem:$0x7FF] =	sst s2;
	s6 =	sor.u32 s8, s28;
	s16 =	smul.u32 $0x14AC0, s8  }
0x9: {  	s3 =	sadd.s32 $0x54E00, s5;
	s4 =	sadd.s32 $0x2200, s5;
	s7 =	smul.u32 $0x14AC0, s6  }
0xa: {  	s12 =	sadd.s32 $0x21CE00, s5;
	s9 =	ssub.s32 $0x2, s8;
	s10 =	smul.u32 $0x14AC00, s6  }
0xb: {  	_ =	strace $0x8000004A;
	s11 =	sshrl.u32 s9, $0x1;
	s6 =	smul.u32 $0xA56000, s6  }
0xc: {  	s11 =	ssub.s32 s9, s11;
	s31 =	sadd.s32 s16, s15;
	s15 =	simm.s32 $0x580  }
0xd: {  	s16 =	simm.s32 $0xAD80;
	s29 =	sshrl.u32 s7, $0x3;
	s6 =	sshrl.u32 s6, $0x3  }
0xe: {  	s5 =	sadd.s32 s4, s29;
	s30 =	sadd.s32 s12, s6;
	s6 =	sadd.s32 s12, s10  }
0xf: {  	s12 =	sadd.s32 s13, s12;
	s10 =	smax.u32 s11, $0x1;
	s13 =	simm.s32 $0x5  }
0x10: {  	s7 =	sadd.s32 $0x1500, s30;
	s8 =	sadd.s32 $0x2A00, s30;
	s9 =	sadd.s32 $0x3F00, s30  }
0x11: {  	s11 =	sadd.s32 s14, s12;
	s12 =	sadd.s32 $0x540, s31;
	s14 =	simm.s32 $0x150  }
.LBB2_1:
0x12: {  	[tilespmem:s2], [sflag:$0x5] =	stream.linear.gather [hbm4b:s5+s2], $0x540, $0x38;
	[tilespmem:$0x15580] =	vst v63  }
0x13: {  	_ =	swait.ge [sflag:s13], $0x540  }
0x14: {  	[sflag:s13] =	ssyncset.done $0x0  }
0x15: {  	[sflag:s13] =	ssyncadd.s32 $0xFFFFFAC0  }
0x16: {  	[tilespmem:s15], [sflag:$0x1] =	stream.indirect.gather [hbm4b:s3+s14], $0x80, s2, s14, $0xb8;
	[tilespmem:$0x15580] =	vst v63  }
0x17: {  	_ = 	snop  }
0x18: {  	[tilespmem:s16], [sflag:$0x2] =	stream.indirect.gather [hbm4b:s3+s14], $0x80, s14, s14, $0xb8;
	[tilespmem:$0x15580] =	vst v63  }
0x19: {  	_ =	swait.ge [sflag:s17], $0xA800  }
0x1a: {  	[sflag:s17] =	ssyncset.done $0x0  }
0x1b: {  	[sflag:s17] =	ssyncadd.s32 $0xFFFF5800  }
0x1c: {  	[hbm4b:s6+s2] =	stream.linear.scatter [tilespmem:s15], [sflag:$0x3], $0xA800, $0x38;
	[tilespmem:$0x15580] =	vst v63  }
0x1d: {  	_ =	swait.ge [sflag:s18], $0xA800  }
0x1e: {  	[sflag:s18] =	ssyncset.done $0x0  }
0x1f: {  	[sflag:s18] =	ssyncadd.s32 $0xFFFF5800  }
0x20: {  	[tilespmem:s15], [sflag:$0x1] =	stream.indirect.gather [hbm4b:s3+s14], $0x80, s19, s14, $0xb8;
	[tilespmem:$0x15580] =	vst v63  }
0x21: {  	_ =	swait.ge [sflag:s20], $0xA800  }
0x22: {  	[sflag:s20] =	ssyncset.done $0x0  }
0x23: {  	[sflag:s20] =	ssyncadd.s32 $0xFFFF5800  }
0x24: {  	[hbm4b:s7+s2] =	stream.linear.scatter [tilespmem:s16], [sflag:$0x4], $0xA800, $0x38;
	[tilespmem:$0x15580] =	vst v63  }
0x25: {  	_ =	swait.ge [sflag:s21], $0xA800  }
0x26: {  	[sflag:s21] =	ssyncset.done $0x0  }
0x27: {  	[sflag:s21] =	ssyncadd.s32 $0xFFFF5800  }
0x28: {  	[tilespmem:s16], [sflag:$0x2] =	stream.indirect.gather [hbm4b:s3+s14], $0x80, s22, s14, $0xb8;
	[tilespmem:$0x15580] =	vst v63  }
0x29: {  	_ =	swait.ge [sflag:s17], $0xA800  }
0x2a: {  	[sflag:s17] =	ssyncset.done $0x0  }
0x2b: {  	[sflag:s17] =	ssyncadd.s32 $0xFFFF5800  }
0x2c: {  	[hbm4b:s8+s2] =	stream.linear.scatter [tilespmem:s15], [sflag:$0x3], $0xA800, $0x38;
	[tilespmem:$0x15580] =	vst v63  }
0x2d: {  	_ =	swait.ge [sflag:s20], $0xA800  }
0x2e: {  	[sflag:s20] =	ssyncset.done $0x0  }
0x2f: {  	s24 =	sshrl.u32 s12, $0x3;
	[sflag:s20] =	ssyncadd.s32 $0xFFFF5800  }
0x30: {  	[hbm4b:s9+s2] =	stream.linear.scatter [tilespmem:s16], [sflag:$0x4], $0xA800, $0x38;
	[tilespmem:$0x15580] =	vst v63  }
0x31: {  	s24 =	sadd.s32 s4, s24  }
0x32: {  	[tilespmem:s2], [sflag:$0x5] =	stream.linear.gather [hbm4b:s24+s2], $0x540, $0x38;
	[tilespmem:$0x15580] =	vst v63  }
0x33: {  	_ =	swait.ge [sflag:s13], $0x540  }
0x34: {  	[sflag:s13] =	ssyncset.done $0x0  }
0x35: {  	[sflag:s13] =	ssyncadd.s32 $0xFFFFFAC0  }
0x36: {  	_ =	swait.ge [sflag:s18], $0xA800  }
0x37: {  	[sflag:s18] =	ssyncset.done $0x0  }
0x38: {  	[sflag:s18] =	ssyncadd.s32 $0xFFFF5800  }
0x39: {  	[tilespmem:s15], [sflag:$0x1] =	stream.indirect.gather [hbm4b:s3+s14], $0x80, s2, s14, $0xb8;
	[tilespmem:$0x15580] =	vst v63  }
0x3a: {  	_ =	swait.ge [sflag:s21], $0xA800  }
0x3b: {  	[sflag:s21] =	ssyncset.done $0x0  }
0x3c: {  	[sflag:s21] =	ssyncadd.s32 $0xFFFF5800  }
0x3d: {  	[tilespmem:s16], [sflag:$0x2] =	stream.indirect.gather [hbm4b:s3+s14], $0x80, s14, s14, $0xb8;
	[tilespmem:$0x15580] =	vst v63  }
0x3e: {  	_ =	swait.ge [sflag:s17], $0xA800  }
0x3f: {  	s29 =	sadd.s32 $0x0, s11;
	[sflag:s17] =	ssyncset.done $0x0  }
0x40: {  	s26 =	sadd.s32 $0x5400, s29;
	[sflag:s17] =	ssyncadd.s32 $0xFFFF5800  }
0x41: {  	[hbm4b:s26+s2] =	stream.linear.scatter [tilespmem:s15], [sflag:$0x3], $0xA800, $0x38;
	[tilespmem:$0x15580] =	vst v63  }
0x42: {  	_ =	swait.ge [sflag:s18], $0xA800  }
0x43: {  	[sflag:s18] =	ssyncset.done $0x0  }
0x44: {  	[sflag:s18] =	ssyncadd.s32 $0xFFFF5800  }
0x45: {  	[tilespmem:s15], [sflag:$0x1] =	stream.indirect.gather [hbm4b:s3+s14], $0x80, s19, s14, $0xb8;
	[tilespmem:$0x15580] =	vst v63  }
0x46: {  	_ =	swait.ge [sflag:s20], $0xA800  }
0x47: {  	[sflag:s20] =	ssyncset.done $0x0  }
0x48: {  	s30 =	sadd.s32 $0x6900, s29;
	[sflag:s20] =	ssyncadd.s32 $0xFFFF5800  }
0x49: {  	[hbm4b:s30+s2] =	stream.linear.scatter [tilespmem:s16], [sflag:$0x4], $0xA800, $0x38;
	[tilespmem:$0x15580] =	vst v63  }
0x4a: {  	_ =	swait.ge [sflag:s21], $0xA800  }
0x4b: {  	[sflag:s21] =	ssyncset.done $0x0  }
0x4c: {  	[sflag:s21] =	ssyncadd.s32 $0xFFFF5800  }
0x4d: {  	[tilespmem:s16], [sflag:$0x2] =	stream.indirect.gather [hbm4b:s3+s14], $0x80, s22, s14, $0xb8;
	[tilespmem:$0x15580] =	vst v63  }
0x4e: {  	_ =	swait.ge [sflag:s17], $0xA800  }
0x4f: {  	[sflag:s17] =	ssyncset.done $0x0  }
0x50: {  	s28 =	sadd.s32 $0x540, s12;
	s31 =	sadd.s32 $0x7E00, s29;
	[sflag:s17] =	ssyncadd.s32 $0xFFFF5800  }
0x51: {  	[hbm4b:s31+s2] =	stream.linear.scatter [tilespmem:s15], [sflag:$0x3], $0xA800, $0x38;
	[tilespmem:$0x15580] =	vst v63  }
0x52: {  	s25 =	sshrl.u32 s28, $0x3;
	_ =	swait.ge [sflag:s20], $0xA800  }
0x53: {  	s28 =	sadd.s32 $0x540, s28;
	s29 =	sadd.s32 $0x9300, s29;
	[sflag:s20] =	ssyncset.done $0x0  }
0x54: {  	s24 =	simm.s32 $0x5400;
	s26 =	simm.s32 $0xA800;
	[sflag:s20] =	ssyncadd.s32 $0xFFFF5800  }
.LBB2_2:
0x55: {  	[hbm4b:s29+s2] =	stream.linear.scatter [tilespmem:s16], [sflag:$0x4], $0xA800, $0x38;
	[tilespmem:$0x15580] =	vst v63  }
0x56: {  	p0 =	sne.s32 s26, $0x140400;
	s29 =	sadd.s32 s4, s25;
	s25 =	sshrl.u32 s28, $0x3  }
0x57: {  	[tilespmem:s2], [sflag:$0x5] =	stream.linear.gather [hbm4b:s29+s2], $0x540, $0x38;
	[tilespmem:$0x15580] =	vst v63  }
0x58: {  	s29 =	smov.u32 s26;
	s26 =	sadd.s32 $0x5400, s26;
	_ =	swait.ge [sflag:s13], $0x540  }
0x59: {  	[sflag:s13] =	ssyncset.done $0x0  }
0x5a: {  	[sflag:s13] =	ssyncadd.s32 $0xFFFFFAC0  }
0x5b: {  	_ =	swait.ge [sflag:s18], $0xA800  }
0x5c: {  	[sflag:s18] =	ssyncset.done $0x0  }
0x5d: {  	[sflag:s18] =	ssyncadd.s32 $0xFFFF5800  }
0x5e: {  	[tilespmem:s15], [sflag:$0x1] =	stream.indirect.gather [hbm4b:s3+s14], $0x80, s2, s14, $0xb8;
	[tilespmem:$0x15580] =	vst v63  }
0x5f: {  	_ =	swait.ge [sflag:s21], $0xA800  }
0x60: {  	[sflag:s21] =	ssyncset.done $0x0  }
0x61: {  	[sflag:s21] =	ssyncadd.s32 $0xFFFF5800  }
0x62: {  	[tilespmem:s16], [sflag:$0x2] =	stream.indirect.gather [hbm4b:s3+s14], $0x80, s14, s14, $0xb8;
	[tilespmem:$0x15580] =	vst v63  }
0x63: {  	_ =	swait.ge [sflag:s17], $0xA800  }
0x64: {  	s30 =	sadd.s32 s24, s11;
	s24 =	smov.u32 s29;
	[sflag:s17] =	ssyncset.done $0x0  }
0x65: {  	s29 =	sadd.s32 $0x5400, s30;
	[sflag:s17] =	ssyncadd.s32 $0xFFFF5800  }
0x66: {  	[hbm4b:s29+s2] =	stream.linear.scatter [tilespmem:s15], [sflag:$0x3], $0xA800, $0x38;
	[tilespmem:$0x15580] =	vst v63  }
0x67: {  	_ =	swait.ge [sflag:s18], $0xA800  }
0x68: {  	[sflag:s18] =	ssyncset.done $0x0  }
0x69: {  	[sflag:s18] =	ssyncadd.s32 $0xFFFF5800  }
0x6a: {  	[tilespmem:s15], [sflag:$0x1] =	stream.indirect.gather [hbm4b:s3+s14], $0x80, s19, s14, $0xb8;
	[tilespmem:$0x15580] =	vst v63  }
0x6b: {  	_ =	swait.ge [sflag:s20], $0xA800  }
0x6c: {  	[sflag:s20] =	ssyncset.done $0x0  }
0x6d: {  	s29 =	sadd.s32 $0x6900, s30;
	[sflag:s20] =	ssyncadd.s32 $0xFFFF5800  }
0x6e: {  	[hbm4b:s29+s2] =	stream.linear.scatter [tilespmem:s16], [sflag:$0x4], $0xA800, $0x38;
	[tilespmem:$0x15580] =	vst v63  }
0x6f: {  	_ =	swait.ge [sflag:s21], $0xA800  }
0x70: {  	[sflag:s21] =	ssyncset.done $0x0  }
0x71: {  	[sflag:s21] =	ssyncadd.s32 $0xFFFF5800  }
0x72: {  	[tilespmem:s16], [sflag:$0x2] =	stream.indirect.gather [hbm4b:s3+s14], $0x80, s22, s14, $0xb8;
	[tilespmem:$0x15580] =	vst v63  }
0x73: {  	_ =	swait.ge [sflag:s17], $0xA800  }
0x74: {  	[sflag:s17] =	ssyncset.done $0x0  }
.Ltmp0:
0x75: {  	s29 =	sadd.s32 $0x7E00, s30;
	[sflag:s17] =	ssyncadd.s32 $0xFFFF5800;
	(pc) =	sbr.rel @p0 .LBB2_2-.Ltmp0, $4  }
0x76: {  	[hbm4b:s29+s2] =	stream.linear.scatter [tilespmem:s15], [sflag:$0x3], $0xA800, $0x38;
	[tilespmem:$0x15580] =	vst v63  }
0x77: {  	_ =	swait.ge [sflag:s20], $0xA800  }
0x78: {  	[sflag:s20] =	ssyncset.done $0x0  }
0x79: {  	s28 =	sadd.s32 $0x540, s28;
	s29 =	sadd.s32 $0x9300, s30;
	[sflag:s20] =	ssyncadd.s32 $0xFFFF5800  }
0x7a: {  	[hbm4b:s29+s2] =	stream.linear.scatter [tilespmem:s16], [sflag:$0x4], $0xA800, $0x38;
	[tilespmem:$0x15580] =	vst v63  }
0x7b: {  	s25 =	sadd.s32 s4, s25  }
0x7c: {  	[tilespmem:s2], [sflag:$0x5] =	stream.linear.gather [hbm4b:s25+s2], $0x540, $0x38;
	[tilespmem:$0x15580] =	vst v63  }
0x7d: {  	_ =	swait.ge [sflag:s13], $0x540  }
0x7e: {  	[sflag:s13] =	ssyncset.done $0x0  }
0x7f: {  	[sflag:s13] =	ssyncadd.s32 $0xFFFFFAC0  }
0x80: {  	_ =	swait.ge [sflag:s18], $0xA800  }
0x81: {  	[sflag:s18] =	ssyncset.done $0x0  }
0x82: {  	[sflag:s18] =	ssyncadd.s32 $0xFFFF5800  }
0x83: {  	[tilespmem:s15], [sflag:$0x1] =	stream.indirect.gather [hbm4b:s3+s14], $0x80, s2, s14, $0xb8;
	[tilespmem:$0x15580] =	vst v63  }
0x84: {  	_ =	swait.ge [sflag:s21], $0xA800  }
0x85: {  	[sflag:s21] =	ssyncset.done $0x0  }
0x86: {  	[sflag:s21] =	ssyncadd.s32 $0xFFFF5800  }
0x87: {  	[tilespmem:s16], [sflag:$0x2] =	stream.indirect.gather [hbm4b:s3+s14], $0x80, s14, s14, $0xb8;
	[tilespmem:$0x15580] =	vst v63  }
0x88: {  	_ =	swait.ge [sflag:s17], $0xA800  }
0x89: {  	s24 =	sadd.s32 s24, s11;
	[sflag:s17] =	ssyncset.done $0x0  }
0x8a: {  	s29 =	sadd.s32 $0x5400, s24;
	[sflag:s17] =	ssyncadd.s32 $0xFFFF5800  }
0x8b: {  	[hbm4b:s29+s2] =	stream.linear.scatter [tilespmem:s15], [sflag:$0x3], $0xA800, $0x38;
	[tilespmem:$0x15580] =	vst v63  }
0x8c: {  	_ =	swait.ge [sflag:s18], $0xA800  }
0x8d: {  	[sflag:s18] =	ssyncset.done $0x0  }
0x8e: {  	[sflag:s18] =	ssyncadd.s32 $0xFFFF5800  }
0x8f: {  	[tilespmem:s15], [sflag:$0x1] =	stream.indirect.gather [hbm4b:s3+s14], $0x80, s19, s14, $0xb8;
	[tilespmem:$0x15580] =	vst v63  }
0x90: {  	_ =	swait.ge [sflag:s20], $0xA800  }
0x91: {  	[sflag:s20] =	ssyncset.done $0x0  }
0x92: {  	s30 =	sadd.s32 $0x6900, s24;
	[sflag:s20] =	ssyncadd.s32 $0xFFFF5800  }
0x93: {  	[hbm4b:s30+s2] =	stream.linear.scatter [tilespmem:s16], [sflag:$0x4], $0xA800, $0x38;
	[tilespmem:$0x15580] =	vst v63  }
0x94: {  	_ =	swait.ge [sflag:s21], $0xA800  }
0x95: {  	[sflag:s21] =	ssyncset.done $0x0  }
0x96: {  	[sflag:s21] =	ssyncadd.s32 $0xFFFF5800  }
0x97: {  	[tilespmem:s16], [sflag:$0x2] =	stream.indirect.gather [hbm4b:s3+s14], $0x80, s22, s14, $0xb8;
	[tilespmem:$0x15580] =	vst v63  }
0x98: {  	_ =	swait.ge [sflag:s17], $0xA800  }
0x99: {  	[sflag:s17] =	ssyncset.done $0x0  }
0x9a: {  	s31 =	sadd.s32 $0x7E00, s24;
	[sflag:s17] =	ssyncadd.s32 $0xFFFF5800  }
0x9b: {  	[hbm4b:s31+s2] =	stream.linear.scatter [tilespmem:s15], [sflag:$0x3], $0xA800, $0x38;
	[tilespmem:$0x15580] =	vst v63  }
0x9c: {  	_ =	swait.ge [sflag:s20], $0xA800  }
0x9d: {  	[sflag:s20] =	ssyncset.done $0x0  }
0x9e: {  	s23 =	sadd.s32 $0x1, s23;
	s24 =	sadd.s32 $0x9300, s24;
	[sflag:s20] =	ssyncadd.s32 $0xFFFF5800  }
0x9f: {  	[hbm4b:s24+s2] =	stream.linear.scatter [tilespmem:s16], [sflag:$0x4], $0xA800, $0x38;
	[tilespmem:$0x15580] =	vst v63  }
0xa0: {  	p0 =	sne.s32 s23, s10;
	_ =	swait.ge [sflag:s18], $0xA800  }
.Ltmp1:
0xa1: {  	[sflag:s18] =	ssyncset.done $0x0;
	(pc) =	sbr.rel @p0 .LBB2_1-.Ltmp1, $4  }
0xa2: {  	[sflag:s18] =	ssyncadd.s32 $0xFFFF5800  }
0xa3: {  	_ =	swait.ge [sflag:s21], $0xA800  }
0xa4: {  	[sflag:s21] =	ssyncset.done $0x0  }
0xa5: {  	[sflag:s21] =	ssyncadd.s32 $0xFFFF5800  }
0xa6: {  	_ =	sfence.sel $0x180000  }
0xa7: {  	[bflag:$0x0] =	sbarrier.arrive $0xFFFF  }
0xa8: {  	p0 =	sne.s32 s1, $0x0;
	_ =	strace $0x9000004A  }
0xa9: {  	s0 =	sadd.s32 @!p0 $0x100000, s0;
	[bflag:$0x2] =	sbarrier.arrive $0xFFFF  }
0xaa: {  	[sflag:s0] =	ssyncadd.tile.s32 @!p0 $0x1;
	_ =	shalt  }
.Lfunc_end2:
_tile_overlayer_lowered:
.L_overlay_start_2:
0xab: {  	(tag) =	ssettag $0x2  }
0xac: {  	s0 =	rddreg [dreg:$0x0];
	s2 =	stileid.u32  }
0xad: {  	s1 =	rddreg [dreg:$0x1];
	p0 =	sne.s32 s2, $0x0  }
0xae: {  	s3 =	rddreg [dreg:$0x2];
	[bflag:$0x3] =	sbarrier.arrive $0xFFFF;
	s2 =	simm.s32 @!p0 $0x1C05  }
0xaf: {  	[timem:s3], [sflag:s2] =	dma.local @!p0 [hbm:s0], s1  }
0xb0: {  	s0 =	simm.s32 @!p0 $0x5  }
0xb1: {  	_ =	swait.ge @!p0 [sflag:s0], s1  }
0xb2: {  	s1 =	ssub.s32 @!p0 $0x0, s1;
	[sflag:s0] =	ssyncset.done @!p0 $0x0  }
0xb3: {  	[sflag:s0] =	ssyncadd.s32 @!p0 s1  }
0xb4: {  	[bflag:$0x3] =	sbarrier.arrive $0xFFFF  }
0xb5: {  	_ =	shalt  }

// kernel: kernel.7.cloned.1.call-start
scs
__scs_entry_jumppad:
0x0: {  	(pc) =	sbr.rel $0x88, $3  }
0x1: {  	(tag) =	ssettag $0x0;
	lr =	simm.s32 $0x1  }
0x2: {  	[smem:$0x3F91] =	sst lr;
	_ =	strace $0xD0000000  }
0x3: {  	_ = 	snop  }
0x4: {  	_ = 	snop  }
0x5: {  	_ = 	snop  }
0x6: {  	_ = 	snop  }
0x7: {  	_ = 	snop  }
__scs_overlays_trampoline_lowered:
0x8: {  	[smem:$0x3FA0] =	sst s0  }
0x9: {  	[smem:$0x3FA1] =	sst s1  }
0xa: {  	[smem:$0x3FA2] =	sst s2  }
0xb: {  	[smem:$0x3FA3] =	sst s3  }
0xc: {  	[smem:$0x3FA4] =	sst s4  }
0xd: {  	[smem:$0x3FA5] =	sst s5  }
0xe: {  	[smem:$0x3FA6] =	sst s6  }
0xf: {  	[smem:$0x3FA7] =	sst s7  }
0x10: {  	[smem:$0x3FA8] =	sst s8  }
0x11: {  	[smem:$0x3FA9] =	sst s9;
	s0 =	simm.s32 @!p0 $0x0  }
0x12: {  	s1 =	sld [smem:$0x3F8F];
	s0 =	simm.s32 @p0 $0x1  }
0x13: {  	[smem:$0x3FAA] =	sst s0;
	s0 =	simm.s32 @!p1 $0x0  }
0x14: {  	s2 =	sld [smem:$0x3F8E];
	s0 =	simm.s32 @p1 $0x1  }
0x15: {  	[smem:$0x3FAB] =	sst s0;
	s0 =	simm.s32 @!p2 $0x0  }
0x16: {  	s3 =	sld [smem:$0x3FDB];
	s0 =	simm.s32 @p2 $0x1  }
0x17: {  	s4 =	simm.s32 $0x1BF5;
	[smem:$0x3FAD] =	sst s0  }
0x18: {  	s0 =	sld [smem:$0x3F90];
	_ =	swait.ge [sflag:s4], $0x0  }
0x19: {  	s7 =	sld [smem:$0x3F91]  }
0x1a: {  	s8 =	sadd.s32 $0xFFFFE003, lr  }
0x1b: {  	s9 =	sadd.s32 $0xFFFFFEF7, lr;
	s5 =	simm.s32 $0xFFFFFFFF;
	p2 =	slt.u32 s8, $0xFFFFF086  }
0x1c: {  	p1 =	slt.u32 s9, $0xF7A;
	s5 =	simm.s32 @!p2 $0x0  }
0x1d: {  	s5 =	simm.s32 @p1 $0x1;
	p0 =	seq.s32 s7, s2  }
0x1e: {  	s7 =	smul.u32 @!p0 $0xF7A, s2;
	p2 =	seq.s32 @!p0 s5, $0x0  }
0x1f: {  	s9 =	smul.u32 $0xF7A, s1;
	s8 =	simm.s32 @!p0 $0x1BF5;
	p2 =	por !p2, p0  }
0x20: {  	[sflag:s8] =	ssyncset.s32 @!p0 $0xFFFFF086;
	s6 =	sadd.s32 @!p0 s3, s7;
	s7 =	simm.s32 @!p0 $0x108  }
0x21: {  	s3 =	sadd.s32 s3, s9;
	s6 =	sadd.s32 @!p0 $0x88, s6;
	s7 =	simm.s32 @p2 $0x1082  }
0x22: {  	[simem:s7], [sflag:s8] =	dma.local @!p0 [hbm:s6], $0xF7A  }
0x23: {  	s9 =	sor.u32 $0xD0000000, s2;
	s6 =	simm.s32 $0x108;
	_ =	swait.ge @!p0 [sflag:s8], $0x0  }
0x24: {  	s3 =	sadd.s32 $0x88, s3;
	s6 =	simm.s32 @!p1 $0x1082;
	[sflag:s4] =	ssyncset.s32 $0xFFFFF086  }
0x25: {  	[simem:s6], [sflag:s4] =	dma.local [hbm:s3], $0xF7A  }
0x26: {  	[smem:$0x3F91] =	sst s1;
	(tag) =	ssettag s2;
	_ =	strace s9  }
0x27: {  	s1 =	sld [smem:$0x3FA1]  }
0x28: {  	s2 =	sld [smem:$0x3FA2]  }
0x29: {  	s4 =	sld [smem:$0x3FA4]  }
0x2a: {  	p0 =	seq.s32 s5, $0x0;
	s5 =	sld [smem:$0x3FA5]  }
0x2b: {  	s6 =	sld [smem:$0x3FA6]  }
0x2c: {  	s7 =	sld [smem:$0x3FA7]  }
0x2d: {  	s3 =	simm.s32 $0x108;
	s8 =	sld [smem:$0x3FA8]  }
0x2e: {  	s3 =	simm.s32 @!p0 $0x1082;
	s9 =	sld [smem:$0x3FA9]  }
0x2f: {  	lr =	sadd.s32 s0, s3;
	s0 =	sld [smem:$0x3FA0]  }
0x30: {  	s3 =	sld [smem:$0x3FA3]  }
0x31: {  	[smem:$0x3FAC] =	sst s10  }
0x32: {  	s10 =	sld [smem:$0x3FAA];
	_ =	sdelay $0x3  }
0x33: {  	p0 =	seq.s32 s10, $0x1;
	s10 =	sld [smem:$0x3FAC];
	_ =	sdelay $0x3  }
0x34: {  	[smem:$0x3FAC] =	sst s10  }
0x35: {  	s10 =	sld [smem:$0x3FAB];
	_ =	sdelay $0x3  }
0x36: {  	p1 =	seq.s32 s10, $0x1;
	s10 =	sld [smem:$0x3FAC];
	_ =	sdelay $0x3  }
0x37: {  	[smem:$0x3FAC] =	sst s10  }
0x38: {  	s10 =	sld [smem:$0x3FAD]  }
0x39: {  	_ = 	snop;
	(pc) =	sbr.ind lr, $3  }
0x3a: {  	_ = 	snop  }
0x3b: {  	_ = 	snop  }
0x3c: {  	p2 =	seq.s32 s10, $0x1;
	s10 =	sld [smem:$0x3FAC]  }
0x3d: {  	_ =	shalt  }
0x3e: {  	_ =	shalt  }
0x3f: {  	_ =	shalt  }
0x40: {  	_ =	shalt  }
0x41: {  	_ =	shalt  }
0x42: {  	_ =	shalt  }
0x43: {  	_ =	shalt  }
0x44: {  	_ =	shalt  }
0x45: {  	_ =	shalt  }
0x46: {  	_ =	shalt  }
0x47: {  	_ =	shalt  }
0x48: {  	_ =	shalt  }
0x49: {  	_ =	shalt  }
0x4a: {  	_ =	shalt  }
0x4b: {  	_ =	shalt  }
0x4c: {  	_ =	shalt  }
0x4d: {  	_ =	shalt  }
0x4e: {  	_ =	shalt  }
0x4f: {  	_ =	shalt  }
0x50: {  	_ =	shalt  }
0x51: {  	_ =	shalt  }
0x52: {  	_ =	shalt  }
0x53: {  	_ =	shalt  }
0x54: {  	_ =	shalt  }
0x55: {  	_ =	shalt  }
0x56: {  	_ =	shalt  }
0x57: {  	_ =	shalt  }
0x58: {  	_ =	shalt  }
0x59: {  	_ =	shalt  }
0x5a: {  	_ =	shalt  }
0x5b: {  	_ =	shalt  }
0x5c: {  	_ =	shalt  }
0x5d: {  	_ =	shalt  }
0x5e: {  	_ =	shalt  }
0x5f: {  	_ =	shalt  }
0x60: {  	_ =	shalt  }
0x61: {  	_ =	shalt  }
0x62: {  	_ =	shalt  }
0x63: {  	_ =	shalt  }
0x64: {  	_ =	shalt  }
0x65: {  	_ =	shalt  }
0x66: {  	_ =	shalt  }
0x67: {  	_ =	shalt  }
0x68: {  	_ =	shalt  }
0x69: {  	_ =	shalt  }
0x6a: {  	_ =	shalt  }
0x6b: {  	_ =	shalt  }
0x6c: {  	_ =	shalt  }
0x6d: {  	_ =	shalt  }
0x6e: {  	_ =	shalt  }
0x6f: {  	_ =	shalt  }
0x70: {  	_ =	shalt  }
0x71: {  	_ =	shalt  }
0x72: {  	_ =	shalt  }
0x73: {  	_ =	shalt  }
0x74: {  	_ =	shalt  }
0x75: {  	_ =	shalt  }
0x76: {  	_ =	shalt  }
0x77: {  	_ =	shalt  }
0x78: {  	_ =	shalt  }
0x79: {  	_ =	shalt  }
0x7a: {  	_ =	shalt  }
0x7b: {  	_ =	shalt  }
0x7c: {  	_ =	shalt  }
0x7d: {  	_ =	shalt  }
0x7e: {  	_ =	shalt  }
0x7f: {  	_ =	shalt  }
0x80: {  	_ =	shalt  }
0x81: {  	_ =	shalt  }
0x82: {  	_ =	shalt  }
0x83: {  	_ =	shalt  }
0x84: {  	_ =	shalt  }
0x85: {  	_ =	shalt  }
0x86: {  	_ =	shalt  }
0x87: {  	_ =	shalt  }
.Lfunc_end0:
.L_simem_size_0:
called_computation_lowered:
.L_overlay_start_0:
0x88: {  	s2 =	sld [smem:$0x3FD9]  }
0x89: {  	s3 =	sld [smem:$0x3FFE];
	_ =	sdelay $0x1  }
0x8a: {  	s1 =	srdreg.scid  }
0x8b: {  	s0 =	sand.u32 $0x1, s1  }
0x8c: {  	s17 =	sshll.u32 s0, $0xA;
	s2 =	sadd.s32 s3, s2  }
0x8d: {  	s2 =	sadd.s32 s2, s17  }
0x8e: {  	[smem:$0x3FB8] =	sst s2  }
0x8f: {  	_ = 	snop  }
0x90: {  	s2 =	sld [smem:$0x3FD0];
	(tm) =	ssettm $0x1  }
0x91: {  	s18 =	sld [smem:$0x3FFB];
	_ =	sdelay $0x3  }
0x92: {  	_ =	strace s18  }
0x93: {  	s3 =	sld [smem:$0x3FFC];
	_ =	sdelay $0x3  }
0x94: {  	_ =	strace s3  }
0x95: {  	s3 =	sld [smem:$0x3FFD];
	_ =	sdelay $0x3  }
0x96: {  	_ =	strace s3  }
0x97: {  	_ =	strace $0x8FFFFFFF  }
0x98: {  	s19 =	sld [smem:$0x3FDB];
	_ =	sdelay $0x1  }
0x99: {  	s4 =	simm.s32 $_scs_section_size  }
0x9a: {  	s5 =	simm.s32 $_size__tile_overlayer_lowered;
	s6 =	simm.s32 $_tile_overlayer_lowered  }
0x9b: {  	s22 =	simm.s32 $0x1BFF;
	s21 =	sshll.u32 s6, $0x1;
	s3 =	sadd.s32 s4, s19  }
0x9c: {  	s7 =	simm.s32 $0x0;
	s20 =	sshll.u32 s5, $0x1;
	s5 =	sadd.s32 s21, s3  }
0x9d: {  	[timem:s7], [sflag:s22] =	dma.local [hbm:s5], s20  }
0x9e: {  	_ =	swait.ge [sflag:s22], s20  }
0x9f: {  	s4 =	ssub.s32 $0x0, s20;
	[sflag:s22] =	ssyncset.done $0x0  }
0xa0: {  	[sflag:s22] =	ssyncadd.s32 s4;
	_ =	sdelay $0x1  }
0xa1: {  	s23 =	simm.s32 $0x1B8B  }
0xa2: {  	_ =	swait.ge [sflag:s23], $0x1  }
0xa3: {  	[sflag:s23] =	ssyncset.done $0x0  }
0xa4: {  	s25 =	simm.s32 $0x1B8E;
	s24 =	sld [smem:$0x3FFE];
	[sflag:s23] =	ssyncadd.s32 $0xFFFFFFFF  }
0xa5: {  	s26 =	simm.s32 $execute0_lowered;
	[smem:$0x3FD2] =	sst s25  }
0xa6: {  	s5 =	sshll.u32 s26, $0x1;
	_ =	strace $0x80000046;
	[dreg:$0x1] =	wrdreg $0xFFFFFFFF  }
0xa7: {  	s28 =	simm.s32 $_size_execute0_lowered;
	s3 =	sadd.s32 s3, s5;
	[dreg:$0x0] =	wrdreg $0x0  }
0xa8: {  	s5 =	sshll.u32 s28, $0x1;
	[dreg:$0x2] =	wrdreg s3  }
0xa9: {  	[dreg:$0x3] =	wrdreg s5  }
0xaa: {  	[dreg:$0x4] =	wrdreg $0xC0  }
0xab: {  	_ =	task [dreg:s7], $0x5FFFF  }
0xac: {  	[dreg:$0x1] =	wrdreg $0xFFFFFFFF  }
0xad: {  	[dreg:$0x0] =	wrdreg $0x60  }
0xae: {  	[dreg:$0x2] =	wrdreg s24  }
0xaf: {  	[dreg:$0x3] =	wrdreg s2  }
0xb0: {  	[dreg:$0x4] =	wrdreg $0x9  }
0xb1: {  	_ =	task.clear_ibuf [dreg:s7], $0x5FFFF;
	_ =	strace $0x90000046  }
0xb2: {  	s29 =	simm.s32 $0x9;
	_ =	strace $0x80000048  }
0xb3: {  	_ =	swait.ge [sflag:s29], $0x1  }
0xb4: {  	[sflag:s29] =	ssyncadd.s32 $0xFFFFFFFF  }
0xb5: {  	_ =	strace $0x90000048  }
0xb6: {  	_ =	sfence  }
0xb7: {  	s30 =	sld [smem:$0x0];
	_ =	sdelay $0x2  }
0xb8: {  	s31 =	sshll.u32 s1, $0xD;
	s1 =	sshrl.u32 s1, $0x2  }
0xb9: {  	s3 =	sand.u32 $0x4000, s31;
	s1 =	sadd.s32 s1, s30  }
0xba: {  	s0 =	sor.u32 s3, s0;
	s1 =	sshll.u32 s1, $0x11  }
0xbb: {  	s0 =	sor.u32 s1, s0  }
0xbc: {  	s0 =	sadd.s32 $0x8F2B, s0  }
0xbd: {  	[sflag:s0] =	ssyncadd.remote.s32 $0x1  }
0xbe: {  	_ =	sfence.sel $0xFFFF  }
0xbf: {  	[dreg:$0x0] =	wrdreg $0xFFFFFFFF;
	(pc) =	sbr.abs _section_cstart, $3  }
0xc0: {  	[dreg:$0x1] =	wrdreg $0xFFFFFFFF  }
0xc1: {  	_ =	task.clear_ibuf [dreg:s7], $0x2FFFF;
	_ =	strace $0x9FFFFFFF  }
0xc2: {  	(tm) =	ssettm $0x7FFFFFFF  }
0xc3: {  	_ =	shalt  }
tec
execute0_lowered:
.L_overlay_start_1:
0x0: {  	(tag) =	ssettag $0x1  }
0x1: {  	s5 =	rddreg [dreg:$0x0];
	s1 =	srdreg.scid  }
0x2: {  	s0 =	stileid.u32;
	s2 =	rddreg [dreg:$0x1];
	s3 =	simm.s32 $0x0  }
0x3: {  	s17 =	simm.s32 $0x1;
	s18 =	simm.s32 $0x3;
	s19 =	simm.s32 $0x2A0  }
0x4: {  	s20 =	simm.s32 $0x2;
	s21 =	simm.s32 $0x4;
	s13 =	smul.u32 $0x295800, s0  }
0x5: {  	s22 =	simm.s32 $0x3F0;
	s8 =	sand.u32 $0x1, s1;
	s15 =	smul.u32 $0x29580, s0  }
0x6: {  	s23 =	simm.s32 $0x0;
	s4 =	sshll.u32 s0, $0x1;
	s14 =	smul.u32 $0x14AC00, s8  }
0x7: {  	s1 =	rddreg [dreg:$0x2];
	s6 =	sor.u32 s8, s4;
	s16 =	smul.u32 $0x14AC0, s8  }
0x8: {  	[smem:$0x7FF] =	sst s3;
	s12 =	sadd.s32 $0x21CE00, s5;
	s7 =	smul.u32 $0x14AC0, s6  }
0x9: {  	_ =	strace $0x80000047;
	s9 =	ssub.s32 $0x2, s8;
	s10 =	smul.u32 $0x14AC00, s6  }
0xa: {  	s4 =	sadd.s32 $0x54E00, s5;
	s11 =	sshrl.u32 s9, $0x1;
	s6 =	smul.u32 $0xA56000, s6  }
0xb: {  	s11 =	ssub.s32 s9, s11;
	s31 =	sadd.s32 s16, s15;
	s15 =	simm.s32 $0x580  }
0xc: {  	s16 =	simm.s32 $0xAD80;
	s29 =	sshrl.u32 s7, $0x3;
	s6 =	sshrl.u32 s6, $0x3  }
0xd: {  	s5 =	sadd.s32 s2, s29;
	s30 =	sadd.s32 s12, s6;
	s6 =	sadd.s32 s12, s10  }
0xe: {  	s12 =	sadd.s32 s13, s12;
	s10 =	smax.u32 s11, $0x1;
	s13 =	simm.s32 $0x5  }
0xf: {  	s7 =	sadd.s32 $0x1500, s30;
	s8 =	sadd.s32 $0x2A00, s30;
	s9 =	sadd.s32 $0x3F00, s30  }
0x10: {  	s11 =	sadd.s32 s14, s12;
	s12 =	sadd.s32 $0x540, s31;
	s14 =	simm.s32 $0x150  }
.LBB2_1:
0x11: {  	[tilespmem:s3], [sflag:$0x5] =	stream.linear.gather [hbm4b:s5+s3], $0x540, $0x38;
	[tilespmem:$0x15580] =	vst v63  }
0x12: {  	_ =	swait.ge [sflag:s13], $0x540  }
0x13: {  	[sflag:s13] =	ssyncset.done $0x0  }
0x14: {  	[sflag:s13] =	ssyncadd.s32 $0xFFFFFAC0  }
0x15: {  	[tilespmem:s15], [sflag:$0x1] =	stream.indirect.gather [hbm4b:s4+s14], $0x80, s3, s14, $0xb8;
	[tilespmem:$0x15580] =	vst v63  }
0x16: {  	_ = 	snop  }
0x17: {  	[tilespmem:s16], [sflag:$0x2] =	stream.indirect.gather [hbm4b:s4+s14], $0x80, s14, s14, $0xb8;
	[tilespmem:$0x15580] =	vst v63  }
0x18: {  	_ =	swait.ge [sflag:s17], $0xA800  }
0x19: {  	[sflag:s17] =	ssyncset.done $0x0  }
0x1a: {  	[sflag:s17] =	ssyncadd.s32 $0xFFFF5800  }
0x1b: {  	[hbm4b:s6+s3] =	stream.linear.scatter [tilespmem:s15], [sflag:$0x3], $0xA800, $0x38;
	[tilespmem:$0x15580] =	vst v63  }
0x1c: {  	_ =	swait.ge [sflag:s18], $0xA800  }
0x1d: {  	[sflag:s18] =	ssyncset.done $0x0  }
0x1e: {  	[sflag:s18] =	ssyncadd.s32 $0xFFFF5800  }
0x1f: {  	[tilespmem:s15], [sflag:$0x1] =	stream.indirect.gather [hbm4b:s4+s14], $0x80, s19, s14, $0xb8;
	[tilespmem:$0x15580] =	vst v63  }
0x20: {  	_ =	swait.ge [sflag:s20], $0xA800  }
0x21: {  	[sflag:s20] =	ssyncset.done $0x0  }
0x22: {  	[sflag:s20] =	ssyncadd.s32 $0xFFFF5800  }
0x23: {  	[hbm4b:s7+s3] =	stream.linear.scatter [tilespmem:s16], [sflag:$0x4], $0xA800, $0x38;
	[tilespmem:$0x15580] =	vst v63  }
0x24: {  	_ =	swait.ge [sflag:s21], $0xA800  }
0x25: {  	[sflag:s21] =	ssyncset.done $0x0  }
0x26: {  	[sflag:s21] =	ssyncadd.s32 $0xFFFF5800  }
0x27: {  	[tilespmem:s16], [sflag:$0x2] =	stream.indirect.gather [hbm4b:s4+s14], $0x80, s22, s14, $0xb8;
	[tilespmem:$0x15580] =	vst v63  }
0x28: {  	_ =	swait.ge [sflag:s17], $0xA800  }
0x29: {  	[sflag:s17] =	ssyncset.done $0x0  }
0x2a: {  	[sflag:s17] =	ssyncadd.s32 $0xFFFF5800  }
0x2b: {  	[hbm4b:s8+s3] =	stream.linear.scatter [tilespmem:s15], [sflag:$0x3], $0xA800, $0x38;
	[tilespmem:$0x15580] =	vst v63  }
0x2c: {  	_ =	swait.ge [sflag:s20], $0xA800  }
0x2d: {  	[sflag:s20] =	ssyncset.done $0x0  }
0x2e: {  	s24 =	sshrl.u32 s12, $0x3;
	[sflag:s20] =	ssyncadd.s32 $0xFFFF5800  }
0x2f: {  	[hbm4b:s9+s3] =	stream.linear.scatter [tilespmem:s16], [sflag:$0x4], $0xA800, $0x38;
	[tilespmem:$0x15580] =	vst v63  }
0x30: {  	s24 =	sadd.s32 s2, s24  }
0x31: {  	[tilespmem:s3], [sflag:$0x5] =	stream.linear.gather [hbm4b:s24+s3], $0x540, $0x38;
	[tilespmem:$0x15580] =	vst v63  }
0x32: {  	_ =	swait.ge [sflag:s13], $0x540  }
0x33: {  	[sflag:s13] =	ssyncset.done $0x0  }
0x34: {  	[sflag:s13] =	ssyncadd.s32 $0xFFFFFAC0  }
0x35: {  	_ =	swait.ge [sflag:s18], $0xA800  }
0x36: {  	[sflag:s18] =	ssyncset.done $0x0  }
0x37: {  	[sflag:s18] =	ssyncadd.s32 $0xFFFF5800  }
0x38: {  	[tilespmem:s15], [sflag:$0x1] =	stream.indirect.gather [hbm4b:s4+s14], $0x80, s3, s14, $0xb8;
	[tilespmem:$0x15580] =	vst v63  }
0x39: {  	_ =	swait.ge [sflag:s21], $0xA800  }
0x3a: {  	[sflag:s21] =	ssyncset.done $0x0  }
0x3b: {  	[sflag:s21] =	ssyncadd.s32 $0xFFFF5800  }
0x3c: {  	[tilespmem:s16], [sflag:$0x2] =	stream.indirect.gather [hbm4b:s4+s14], $0x80, s14, s14, $0xb8;
	[tilespmem:$0x15580] =	vst v63  }
0x3d: {  	_ =	swait.ge [sflag:s17], $0xA800  }
0x3e: {  	s29 =	sadd.s32 $0x0, s11;
	[sflag:s17] =	ssyncset.done $0x0  }
0x3f: {  	s26 =	sadd.s32 $0x5400, s29;
	[sflag:s17] =	ssyncadd.s32 $0xFFFF5800  }
0x40: {  	[hbm4b:s26+s3] =	stream.linear.scatter [tilespmem:s15], [sflag:$0x3], $0xA800, $0x38;
	[tilespmem:$0x15580] =	vst v63  }
0x41: {  	_ =	swait.ge [sflag:s18], $0xA800  }
0x42: {  	[sflag:s18] =	ssyncset.done $0x0  }
0x43: {  	[sflag:s18] =	ssyncadd.s32 $0xFFFF5800  }
0x44: {  	[tilespmem:s15], [sflag:$0x1] =	stream.indirect.gather [hbm4b:s4+s14], $0x80, s19, s14, $0xb8;
	[tilespmem:$0x15580] =	vst v63  }
0x45: {  	_ =	swait.ge [sflag:s20], $0xA800  }
0x46: {  	[sflag:s20] =	ssyncset.done $0x0  }
0x47: {  	s30 =	sadd.s32 $0x6900, s29;
	[sflag:s20] =	ssyncadd.s32 $0xFFFF5800  }
0x48: {  	[hbm4b:s30+s3] =	stream.linear.scatter [tilespmem:s16], [sflag:$0x4], $0xA800, $0x38;
	[tilespmem:$0x15580] =	vst v63  }
0x49: {  	_ =	swait.ge [sflag:s21], $0xA800  }
0x4a: {  	[sflag:s21] =	ssyncset.done $0x0  }
0x4b: {  	[sflag:s21] =	ssyncadd.s32 $0xFFFF5800  }
0x4c: {  	[tilespmem:s16], [sflag:$0x2] =	stream.indirect.gather [hbm4b:s4+s14], $0x80, s22, s14, $0xb8;
	[tilespmem:$0x15580] =	vst v63  }
0x4d: {  	_ =	swait.ge [sflag:s17], $0xA800  }
0x4e: {  	[sflag:s17] =	ssyncset.done $0x0  }
0x4f: {  	s28 =	sadd.s32 $0x540, s12;
	s31 =	sadd.s32 $0x7E00, s29;
	[sflag:s17] =	ssyncadd.s32 $0xFFFF5800  }
0x50: {  	[hbm4b:s31+s3] =	stream.linear.scatter [tilespmem:s15], [sflag:$0x3], $0xA800, $0x38;
	[tilespmem:$0x15580] =	vst v63  }
0x51: {  	s25 =	sshrl.u32 s28, $0x3;
	_ =	swait.ge [sflag:s20], $0xA800  }
0x52: {  	s28 =	sadd.s32 $0x540, s28;
	s29 =	sadd.s32 $0x9300, s29;
	[sflag:s20] =	ssyncset.done $0x0  }
0x53: {  	s24 =	simm.s32 $0x5400;
	s26 =	simm.s32 $0xA800;
	[sflag:s20] =	ssyncadd.s32 $0xFFFF5800  }
.LBB2_2:
0x54: {  	[hbm4b:s29+s3] =	stream.linear.scatter [tilespmem:s16], [sflag:$0x4], $0xA800, $0x38;
	[tilespmem:$0x15580] =	vst v63  }
0x55: {  	p0 =	sne.s32 s26, $0x140400;
	s29 =	sadd.s32 s2, s25;
	s25 =	sshrl.u32 s28, $0x3  }
0x56: {  	[tilespmem:s3], [sflag:$0x5] =	stream.linear.gather [hbm4b:s29+s3], $0x540, $0x38;
	[tilespmem:$0x15580] =	vst v63  }
0x57: {  	s29 =	smov.u32 s26;
	s26 =	sadd.s32 $0x5400, s26;
	_ =	swait.ge [sflag:s13], $0x540  }
0x58: {  	[sflag:s13] =	ssyncset.done $0x0  }
0x59: {  	[sflag:s13] =	ssyncadd.s32 $0xFFFFFAC0  }
0x5a: {  	_ =	swait.ge [sflag:s18], $0xA800  }
0x5b: {  	[sflag:s18] =	ssyncset.done $0x0  }
0x5c: {  	[sflag:s18] =	ssyncadd.s32 $0xFFFF5800  }
0x5d: {  	[tilespmem:s15], [sflag:$0x1] =	stream.indirect.gather [hbm4b:s4+s14], $0x80, s3, s14, $0xb8;
	[tilespmem:$0x15580] =	vst v63  }
0x5e: {  	_ =	swait.ge [sflag:s21], $0xA800  }
0x5f: {  	[sflag:s21] =	ssyncset.done $0x0  }
0x60: {  	[sflag:s21] =	ssyncadd.s32 $0xFFFF5800  }
0x61: {  	[tilespmem:s16], [sflag:$0x2] =	stream.indirect.gather [hbm4b:s4+s14], $0x80, s14, s14, $0xb8;
	[tilespmem:$0x15580] =	vst v63  }
0x62: {  	_ =	swait.ge [sflag:s17], $0xA800  }
0x63: {  	s30 =	sadd.s32 s24, s11;
	s24 =	smov.u32 s29;
	[sflag:s17] =	ssyncset.done $0x0  }
0x64: {  	s29 =	sadd.s32 $0x5400, s30;
	[sflag:s17] =	ssyncadd.s32 $0xFFFF5800  }
0x65: {  	[hbm4b:s29+s3] =	stream.linear.scatter [tilespmem:s15], [sflag:$0x3], $0xA800, $0x38;
	[tilespmem:$0x15580] =	vst v63  }
0x66: {  	_ =	swait.ge [sflag:s18], $0xA800  }
0x67: {  	[sflag:s18] =	ssyncset.done $0x0  }
0x68: {  	[sflag:s18] =	ssyncadd.s32 $0xFFFF5800  }
0x69: {  	[tilespmem:s15], [sflag:$0x1] =	stream.indirect.gather [hbm4b:s4+s14], $0x80, s19, s14, $0xb8;
	[tilespmem:$0x15580] =	vst v63  }
0x6a: {  	_ =	swait.ge [sflag:s20], $0xA800  }
0x6b: {  	[sflag:s20] =	ssyncset.done $0x0  }
0x6c: {  	s29 =	sadd.s32 $0x6900, s30;
	[sflag:s20] =	ssyncadd.s32 $0xFFFF5800  }
0x6d: {  	[hbm4b:s29+s3] =	stream.linear.scatter [tilespmem:s16], [sflag:$0x4], $0xA800, $0x38;
	[tilespmem:$0x15580] =	vst v63  }
0x6e: {  	_ =	swait.ge [sflag:s21], $0xA800  }
0x6f: {  	[sflag:s21] =	ssyncset.done $0x0  }
0x70: {  	[sflag:s21] =	ssyncadd.s32 $0xFFFF5800  }
0x71: {  	[tilespmem:s16], [sflag:$0x2] =	stream.indirect.gather [hbm4b:s4+s14], $0x80, s22, s14, $0xb8;
	[tilespmem:$0x15580] =	vst v63  }
0x72: {  	_ =	swait.ge [sflag:s17], $0xA800  }
0x73: {  	[sflag:s17] =	ssyncset.done $0x0  }
.Ltmp0:
0x74: {  	s29 =	sadd.s32 $0x7E00, s30;
	[sflag:s17] =	ssyncadd.s32 $0xFFFF5800;
	(pc) =	sbr.rel @p0 .LBB2_2-.Ltmp0, $4  }
0x75: {  	[hbm4b:s29+s3] =	stream.linear.scatter [tilespmem:s15], [sflag:$0x3], $0xA800, $0x38;
	[tilespmem:$0x15580] =	vst v63  }
0x76: {  	_ =	swait.ge [sflag:s20], $0xA800  }
0x77: {  	[sflag:s20] =	ssyncset.done $0x0  }
0x78: {  	s28 =	sadd.s32 $0x540, s28;
	s29 =	sadd.s32 $0x9300, s30;
	[sflag:s20] =	ssyncadd.s32 $0xFFFF5800  }
0x79: {  	[hbm4b:s29+s3] =	stream.linear.scatter [tilespmem:s16], [sflag:$0x4], $0xA800, $0x38;
	[tilespmem:$0x15580] =	vst v63  }
0x7a: {  	s25 =	sadd.s32 s2, s25  }
0x7b: {  	[tilespmem:s3], [sflag:$0x5] =	stream.linear.gather [hbm4b:s25+s3], $0x540, $0x38;
	[tilespmem:$0x15580] =	vst v63  }
0x7c: {  	_ =	swait.ge [sflag:s13], $0x540  }
0x7d: {  	[sflag:s13] =	ssyncset.done $0x0  }
0x7e: {  	[sflag:s13] =	ssyncadd.s32 $0xFFFFFAC0  }
0x7f: {  	_ =	swait.ge [sflag:s18], $0xA800  }
0x80: {  	[sflag:s18] =	ssyncset.done $0x0  }
0x81: {  	[sflag:s18] =	ssyncadd.s32 $0xFFFF5800  }
0x82: {  	[tilespmem:s15], [sflag:$0x1] =	stream.indirect.gather [hbm4b:s4+s14], $0x80, s3, s14, $0xb8;
	[tilespmem:$0x15580] =	vst v63  }
0x83: {  	_ =	swait.ge [sflag:s21], $0xA800  }
0x84: {  	[sflag:s21] =	ssyncset.done $0x0  }
0x85: {  	[sflag:s21] =	ssyncadd.s32 $0xFFFF5800  }
0x86: {  	[tilespmem:s16], [sflag:$0x2] =	stream.indirect.gather [hbm4b:s4+s14], $0x80, s14, s14, $0xb8;
	[tilespmem:$0x15580] =	vst v63  }
0x87: {  	_ =	swait.ge [sflag:s17], $0xA800  }
0x88: {  	s24 =	sadd.s32 s24, s11;
	[sflag:s17] =	ssyncset.done $0x0  }
0x89: {  	s29 =	sadd.s32 $0x5400, s24;
	[sflag:s17] =	ssyncadd.s32 $0xFFFF5800  }
0x8a: {  	[hbm4b:s29+s3] =	stream.linear.scatter [tilespmem:s15], [sflag:$0x3], $0xA800, $0x38;
	[tilespmem:$0x15580] =	vst v63  }
0x8b: {  	_ =	swait.ge [sflag:s18], $0xA800  }
0x8c: {  	[sflag:s18] =	ssyncset.done $0x0  }
0x8d: {  	[sflag:s18] =	ssyncadd.s32 $0xFFFF5800  }
0x8e: {  	[tilespmem:s15], [sflag:$0x1] =	stream.indirect.gather [hbm4b:s4+s14], $0x80, s19, s14, $0xb8;
	[tilespmem:$0x15580] =	vst v63  }
0x8f: {  	_ =	swait.ge [sflag:s20], $0xA800  }
0x90: {  	[sflag:s20] =	ssyncset.done $0x0  }
0x91: {  	s30 =	sadd.s32 $0x6900, s24;
	[sflag:s20] =	ssyncadd.s32 $0xFFFF5800  }
0x92: {  	[hbm4b:s30+s3] =	stream.linear.scatter [tilespmem:s16], [sflag:$0x4], $0xA800, $0x38;
	[tilespmem:$0x15580] =	vst v63  }
0x93: {  	_ =	swait.ge [sflag:s21], $0xA800  }
0x94: {  	[sflag:s21] =	ssyncset.done $0x0  }
0x95: {  	[sflag:s21] =	ssyncadd.s32 $0xFFFF5800  }
0x96: {  	[tilespmem:s16], [sflag:$0x2] =	stream.indirect.gather [hbm4b:s4+s14], $0x80, s22, s14, $0xb8;
	[tilespmem:$0x15580] =	vst v63  }
0x97: {  	_ =	swait.ge [sflag:s17], $0xA800  }
0x98: {  	[sflag:s17] =	ssyncset.done $0x0  }
0x99: {  	s31 =	sadd.s32 $0x7E00, s24;
	[sflag:s17] =	ssyncadd.s32 $0xFFFF5800  }
0x9a: {  	[hbm4b:s31+s3] =	stream.linear.scatter [tilespmem:s15], [sflag:$0x3], $0xA800, $0x38;
	[tilespmem:$0x15580] =	vst v63  }
0x9b: {  	_ =	swait.ge [sflag:s20], $0xA800  }
0x9c: {  	[sflag:s20] =	ssyncset.done $0x0  }
0x9d: {  	s23 =	sadd.s32 $0x1, s23;
	s24 =	sadd.s32 $0x9300, s24;
	[sflag:s20] =	ssyncadd.s32 $0xFFFF5800  }
0x9e: {  	[hbm4b:s24+s3] =	stream.linear.scatter [tilespmem:s16], [sflag:$0x4], $0xA800, $0x38;
	[tilespmem:$0x15580] =	vst v63  }
0x9f: {  	p0 =	sne.s32 s23, s10;
	_ =	swait.ge [sflag:s18], $0xA800  }
.Ltmp1:
0xa0: {  	[sflag:s18] =	ssyncset.done $0x0;
	(pc) =	sbr.rel @p0 .LBB2_1-.Ltmp1, $4  }
0xa1: {  	[sflag:s18] =	ssyncadd.s32 $0xFFFF5800  }
0xa2: {  	_ =	swait.ge [sflag:s21], $0xA800  }
0xa3: {  	[sflag:s21] =	ssyncset.done $0x0  }
0xa4: {  	[sflag:s21] =	ssyncadd.s32 $0xFFFF5800  }
0xa5: {  	_ =	sfence.sel $0x180000  }
0xa6: {  	[bflag:$0x0] =	sbarrier.arrive $0xFFFF  }
0xa7: {  	p0 =	sne.s32 s0, $0x0;
	_ =	strace $0x90000047  }
0xa8: {  	s0 =	sadd.s32 @!p0 $0x100000, s1;
	[bflag:$0x2] =	sbarrier.arrive $0xFFFF  }
0xa9: {  	[sflag:s0] =	ssyncadd.tile.s32 @!p0 $0x1;
	_ =	shalt  }
.Lfunc_end2:
_tile_overlayer_lowered:
.L_overlay_start_2:
0xaa: {  	(tag) =	ssettag $0x2  }
0xab: {  	s0 =	rddreg [dreg:$0x0];
	s2 =	stileid.u32  }
0xac: {  	s1 =	rddreg [dreg:$0x1];
	p0 =	sne.s32 s2, $0x0  }
0xad: {  	s3 =	rddreg [dreg:$0x2];
	[bflag:$0x3] =	sbarrier.arrive $0xFFFF;
	s2 =	simm.s32 @!p0 $0x1C05  }
0xae: {  	[timem:s3], [sflag:s2] =	dma.local @!p0 [hbm:s0], s1  }
0xaf: {  	s0 =	simm.s32 @!p0 $0x5  }
0xb0: {  	_ =	swait.ge @!p0 [sflag:s0], s1  }
0xb1: {  	s1 =	ssub.s32 @!p0 $0x0, s1;
	[sflag:s0] =	ssyncset.done @!p0 $0x0  }
0xb2: {  	[sflag:s0] =	ssyncadd.s32 @!p0 s1  }
0xb3: {  	[bflag:$0x3] =	sbarrier.arrive $0xFFFF  }
0xb4: {  	_ =	shalt  }

</sc_bundles>
